<compile_context>
chip_gen: v7x
topology: tpu7x:2x2x1
jax: 0.10.2.dev20260603
libtpu: 0.0.44.dev20260713+nightly
codegen_flags: <defaults>
</compile_context>

<pallas_src>
import functools

import jax
import jax.numpy as jnp
from jax import lax
from jax.experimental import pallas as pl
from jax.experimental.pallas import tpu as pltpu
from jax.experimental.pallas import tpu_sc as plsc

FEAT_DIM = 80
D_MODEL = 256
PH_DIM = 32
SP_DIM = 8
E_DIM = 128
B = 32
T = 1500
T_PAD = 1504

_NC = 2
_NS = 16
_NW = _NC * _NS

_ROUNDS = ((0, 384), (384, 384), (768, 384), (1152, 348))
_RMAX = 384


def _sc_gather(idx_flat, table):
    mesh = plsc.VectorSubcoreMesh(core_axis_name="c", subcore_axis_name="s")

    @functools.partial(
        pl.kernel,
        mesh=mesh,
        out_type=jax.ShapeDtypeStruct((B, T, E_DIM), jnp.float32),
        scratch_types=[
            pltpu.VMEM((T_PAD,), jnp.int32),
            pltpu.VMEM((2, _RMAX, E_DIM), jnp.float32),
            pltpu.SemaphoreType.DMA,
            pltpu.SemaphoreType.DMA,
        ],
    )
    def gather_kernel(idx_hbm, tab_hbm, out_hbm, idx_v, rows_v, gsem, wsem):
        b = lax.axis_index("s") * _NC + lax.axis_index("c")
        pltpu.sync_copy(idx_hbm.at[pl.ds(b * T_PAD, T_PAD)], idx_v)
        writes = []
        for r, (start, n) in enumerate(_ROUNDS):
            buf = rows_v.at[r % 2]
            gathers = []
            off = 0
            while off < n:
                c = min(128, n - off)
                gathers.append(
                    pltpu.async_copy(
                        tab_hbm.at[idx_v.at[pl.ds(start + off, c)]],
                        buf.at[pl.ds(off, c)],
                        gsem,
                    )
                )
                off += c
            if r >= 2:
                writes[r - 2].wait()
            for g in gathers:
                g.wait()
            writes.append(
                pltpu.async_copy(
                    buf.at[pl.ds(0, n)], out_hbm.at[b, pl.ds(start, n)], wsem
                )
            )
        for w in writes[-2:]:
            w.wait()

    return gather_kernel(idx_flat, table)


def _tc_body(aft_ref, ptt_ref, e_ref, wa_ref, wpt_ref, we_ref, b1_ref, g_ref, bt_ref, out_ref):
    cdims = (((0,), (0,)), ((), ()))
    vs = []
    for j in range(8):
        h = lax.dot_general(aft_ref[j], wa_ref[...], cdims,
                            preferred_element_type=jnp.float32)
        h = h + jnp.dot(e_ref[j], we_ref[...], preferred_element_type=jnp.float32)
        h = h + lax.dot_general(ptt_ref[j], wpt_ref[...], cdims,
                                preferred_element_type=jnp.float32)
        h = h + b1_ref[...]
        mu = jnp.mean(h, axis=1, keepdims=True)
        var = jnp.mean((h - mu) ** 2, axis=1, keepdims=True)
        hn = (h - mu) * lax.rsqrt(var + 1e-5)
        hn = hn * g_ref[...] + bt_ref[...]
        vs.append(0.5 * hn * (1.0 + lax.erf(hn * 0.7071067811865476)))
    out_ref[...] = jnp.stack(vs, axis=1)


def kernel(af, pi, pt, si, phoneme_table, speaker_table, W1, b1, gamma, beta):
    idx = pi.astype(jnp.int32) * 2 + si.astype(jnp.int32)
    idx_flat = jnp.pad(idx, ((0, 0), (0, T_PAD - T))).reshape(-1)

    comb = jnp.concatenate(
        [
            jnp.repeat(phoneme_table, 2, axis=0),
            jnp.tile(speaker_table, (128, 1)),
            jnp.zeros((256, E_DIM - PH_DIM - SP_DIM), jnp.float32),
        ],
        axis=1,
    )

    e = _sc_gather(idx_flat, comb)

    wa = W1[:FEAT_DIM]
    wpt = W1[FEAT_DIM:FEAT_DIM + 1]
    we = jnp.concatenate(
        [W1[FEAT_DIM + 1:], jnp.zeros((E_DIM - PH_DIM - SP_DIM, D_MODEL), jnp.float32)]
    )

    out_l = pl.pallas_call(
        _tc_body,
        grid=(B // 8,),
        in_specs=[
            pl.BlockSpec((8, FEAT_DIM, T), lambda i: (i, 0, 0)),
            pl.BlockSpec((8, 1, T), lambda i: (i, 0, 0)),
            pl.BlockSpec((8, T, E_DIM), lambda i: (i, 0, 0)),
            pl.BlockSpec((FEAT_DIM, D_MODEL), lambda i: (0, 0)),
            pl.BlockSpec((1, D_MODEL), lambda i: (0, 0)),
            pl.BlockSpec((E_DIM, D_MODEL), lambda i: (0, 0)),
            pl.BlockSpec((1, D_MODEL), lambda i: (0, 0)),
            pl.BlockSpec((1, D_MODEL), lambda i: (0, 0)),
            pl.BlockSpec((1, D_MODEL), lambda i: (0, 0)),
        ],
        out_specs=pl.BlockSpec((T, 8, D_MODEL), lambda i: (0, i, 0)),
        out_shape=jax.ShapeDtypeStruct((T, B, D_MODEL), jnp.float32),
        compiler_params=pltpu.CompilerParams(vmem_limit_bytes=100 * 1024 * 1024),
    )(af.transpose(0, 2, 1), pt.transpose(0, 2, 1), e, wa, wpt, we,
      b1.reshape(1, D_MODEL), gamma.reshape(1, D_MODEL), beta.reshape(1, D_MODEL))

    return out_l.transpose(1, 0, 2)

# --- scband reference (transcript-rebuilt; emitter-appended) ---
"""Pipeline reference for scband-input-encoder-644245094886 (READ-ONLY COPY).

The authoritative reference and input builder live on the scoring server;
editing this copy changes nothing except your own understanding.
"""

import jax, jax.numpy as jnp
import numpy as np

FEAT_DIM = 80
D_MODEL = 256
PH_DIM = 32
SP_DIM = 8
N_PHONEMES = 128
N_SPEAKERS = 2
IN_DIM = FEAT_DIM + PH_DIM + 1 + SP_DIM  # 121
B, T = 32, 1500


def setup_inputs(seed: int = 0) -> dict:
    key = jax.random.key(seed)
    ks = [jax.random.fold_in(key, i) for i in range(10)]
    af = jax.random.normal(ks[0], (B, T, FEAT_DIM), dtype=jnp.float32)
    pi = jax.random.randint(ks[1], (B, T), 0, N_PHONEMES, dtype=jnp.int64 if jax.config.read('jax_enable_x64') else jnp.int32)
    pt = jax.random.uniform(ks[2], (B, T, 1), dtype=jnp.float32)
    si = jax.random.randint(ks[3], (B, T), 0, N_SPEAKERS, dtype=jnp.int64 if jax.config.read('jax_enable_x64') else jnp.int32)
    phoneme_table = jax.random.normal(ks[4], (N_PHONEMES, PH_DIM), dtype=jnp.float32)
    phoneme_table = phoneme_table.at[0].set(0.0)  # padding_idx=0
    speaker_table = jax.random.normal(ks[5], (N_SPEAKERS, SP_DIM), dtype=jnp.float32)
    bound = 1.0 / np.sqrt(IN_DIM)
    W1 = jax.random.uniform(ks[6], (IN_DIM, D_MODEL), dtype=jnp.float32, minval=-bound, maxval=bound)
    b1 = jax.random.uniform(ks[7], (D_MODEL,), dtype=jnp.float32, minval=-bound, maxval=bound)
    gamma = jnp.ones((D_MODEL,), dtype=jnp.float32)
    beta = jnp.zeros((D_MODEL,), dtype=jnp.float32)
    return {"af": af, "pi": pi, "pt": pt, "si": si,
            "phoneme_table": phoneme_table, "speaker_table": speaker_table,
            "W1": W1, "b1": b1, "gamma": gamma, "beta": beta}


def reference(af, pi, pt, si, phoneme_table, speaker_table, W1, b1, gamma, beta):
    # embedding lookups (SparseCore gather)
    ph = jnp.take(phoneme_table, pi, axis=0)   # [B, T, 32]
    sp = jnp.take(speaker_table, si, axis=0)   # [B, T, 8]
    x = jnp.concatenate([af, pt, ph, sp], axis=-1)  # [B, T, 121]
    # proj: Linear -> LayerNorm -> GELU (Dropout is identity at eval)
    h = jnp.einsum('btd,df->btf', x, W1) + b1
    mu = jnp.mean(h, axis=-1, keepdims=True)
    var = jnp.mean((h - mu) ** 2, axis=-1, keepdims=True)
    hn = (h - mu) / jnp.sqrt(var + 1e-5) * gamma + beta
    return jax.nn.gelu(hn, approximate=False)

if __name__ == "__main__":
    import jax
    _d = setup_inputs()
    print(jax.jit(kernel)(*tuple(_d.values())))

</pallas_src>

<mosaic_0001>
#map = affine_map<(d0, d1) -> (0)>
#map1 = affine_map<(d0, d1) -> (0, 0)>
#map2 = affine_map<(d0, d1) -> (0, 0, 0)>
module attributes {stable_mosaic.version = 14 : i64} {
  func.func @gather_kernel(%arg0: i32, %arg1: i32, %arg2: memref<48128xi32, #tpu.memory_space<hbm>>, %arg3: memref<256x128xf32, #tpu.memory_space<hbm>>, %arg4: memref<32x1500x128xf32, #tpu.memory_space<hbm>>, %arg5: memref<1504xi32, #tpu.memory_space<vmem>>, %arg6: memref<2x384x128xf32, #tpu.memory_space<vmem>>, %arg7: memref<!tpu.dma_semaphore, #tpu.memory_space<semaphore_mem>>, %arg8: memref<!tpu.dma_semaphore, #tpu.memory_space<semaphore_mem>>) attributes {dimension_semantics = [#tpu.dimension_semantics<core_parallel>, #tpu.dimension_semantics<subcore_parallel>], iteration_bounds = array<i64: 2, 16>, scalar_prefetch = 0 : i64, scratch_operands = 4 : i64, tpu.core_type = #tpu.core_type<sc_vector_subcore>, window_params = [{transform_indices = #map}, {transform_indices = #map1}, {transform_indices = #map2}]} {
    %mul3A = arith.constant 2 : i32
    %mul3A_0 = arith.muli %arg1, %mul3A : i32
    %add3A = arith.addi %mul3A_0, %arg0 : i32
    %mul3A_1 = arith.constant 1504 : i32
    %mul3A_2 = arith.muli %add3A, %mul3A_1 : i32
    "tpu.region"() ({
      %run_scoped3A = tpu.sem_alloc : memref<!tpu.dma_semaphore, #tpu.memory_space<semaphore_mem>>
      %dma_start3A_497 = tpu.memref_slice %arg2[%mul3A_2] : memref<48128xi32, #tpu.memory_space<hbm>> -> memref<1504xi32, #tpu.memory_space<hbm>>
      %dma_start3A_498 = tpu.memref_slice %arg2[%mul3A_2] : memref<48128xi32, #tpu.memory_space<hbm>> -> memref<1504xi32, #tpu.memory_space<hbm>>
      tpu.enqueue_dma source(%dma_start3A_498 : memref<1504xi32, #tpu.memory_space<hbm>>) target(%arg5 : memref<1504xi32, #tpu.memory_space<vmem>>) target_semaphore(%run_scoped3A : memref<!tpu.dma_semaphore, #tpu.memory_space<semaphore_mem>>)
      %dma_wait3A_499 = tpu.memref_slice %arg2[%mul3A_2] : memref<48128xi32, #tpu.memory_space<hbm>> -> memref<1504xi32, #tpu.memory_space<hbm>>
      %dma_wait3A_500 = tpu.memref_slice %arg2[%mul3A_2] : memref<48128xi32, #tpu.memory_space<hbm>> -> memref<1504xi32, #tpu.memory_space<hbm>>
      tpu.wait_dma2 semaphore(%run_scoped3A : memref<!tpu.dma_semaphore, #tpu.memory_space<semaphore_mem>>) src(%dma_wait3A_500 : memref<1504xi32, #tpu.memory_space<hbm>>) dst(%arg5 : memref<1504xi32, #tpu.memory_space<vmem>>)
      tpu.yield
    }) : () -> ()
    %dma_start3A = arith.constant 0 : i32
    %dma_start3A_3 = arith.constant 0 : i32
    %dma_start3A_4 = arith.constant 0 : i32
    %dma_start3A_5 = tpu.memref_slice %arg6[%dma_start3A, %dma_start3A_3, %dma_start3A_4] : memref<2x384x128xf32, #tpu.memory_space<vmem>> -> memref<1x384x128xf32, #tpu.memory_space<vmem>>
    %dma_start3A_6 = tpu.memref_squeeze %dma_start3A_5 : memref<1x384x128xf32, #tpu.memory_space<vmem>> -> memref<384x128xf32, #tpu.memory_space<vmem>>
    %dma_start3A_7 = arith.constant 0 : i32
    %dma_start3A_8 = arith.constant 0 : i32
    %dma_start3A_9 = tpu.memref_slice %dma_start3A_6[%dma_start3A_7, %dma_start3A_8] : memref<384x128xf32, #tpu.memory_space<vmem>> -> memref<128x128xf32, #tpu.memory_space<vmem>>
    %dma_start3A_10 = arith.constant 0 : i32
    %dma_start3A_11 = tpu.memref_slice %arg5[%dma_start3A_10] : memref<1504xi32, #tpu.memory_space<vmem>> -> memref<128xi32, #tpu.memory_space<vmem>>
    %dma_start3A_12 = arith.constant 0 : i32
    %dma_start3A_13 = arith.constant 0 : i32
    %dma_start3A_14 = tpu.memref_slice %arg3[%dma_start3A_12, %dma_start3A_13] : memref<256x128xf32, #tpu.memory_space<hbm>> -> memref<256x128xf32, #tpu.memory_space<hbm>>
    tpu.enqueue_indirect_dma source(%dma_start3A_14 : memref<256x128xf32, #tpu.memory_space<hbm>>) target(%dma_start3A_9 : memref<128x128xf32, #tpu.memory_space<vmem>>) offsets(%dma_start3A_11 : memref<128xi32, #tpu.memory_space<vmem>>) semaphore(%arg7 : memref<!tpu.dma_semaphore, #tpu.memory_space<semaphore_mem>>)
    %dma_start3A_15 = arith.constant 0 : i32
    %dma_start3A_16 = arith.constant 0 : i32
    %dma_start3A_17 = arith.constant 0 : i32
    %dma_start3A_18 = tpu.memref_slice %arg6[%dma_start3A_15, %dma_start3A_16, %dma_start3A_17] : memref<2x384x128xf32, #tpu.memory_space<vmem>> -> memref<1x384x128xf32, #tpu.memory_space<vmem>>
    %dma_start3A_19 = tpu.memref_squeeze %dma_start3A_18 : memref<1x384x128xf32, #tpu.memory_space<vmem>> -> memref<384x128xf32, #tpu.memory_space<vmem>>
    %dma_start3A_20 = arith.constant 128 : i32
    %dma_start3A_21 = arith.constant 0 : i32
    %dma_start3A_22 = tpu.memref_slice %dma_start3A_19[%dma_start3A_20, %dma_start3A_21] : memref<384x128xf32, #tpu.memory_space<vmem>> -> memref<128x128xf32, #tpu.memory_space<vmem>>
    %dma_start3A_23 = arith.constant 128 : i32
    %dma_start3A_24 = tpu.memref_slice %arg5[%dma_start3A_23] : memref<1504xi32, #tpu.memory_space<vmem>> -> memref<128xi32, #tpu.memory_space<vmem>>
    %dma_start3A_25 = arith.constant 0 : i32
    %dma_start3A_26 = arith.constant 0 : i32
    %dma_start3A_27 = tpu.memref_slice %arg3[%dma_start3A_25, %dma_start3A_26] : memref<256x128xf32, #tpu.memory_space<hbm>> -> memref<256x128xf32, #tpu.memory_space<hbm>>
    tpu.enqueue_indirect_dma source(%dma_start3A_27 : memref<256x128xf32, #tpu.memory_space<hbm>>) target(%dma_start3A_22 : memref<128x128xf32, #tpu.memory_space<vmem>>) offsets(%dma_start3A_24 : memref<128xi32, #tpu.memory_space<vmem>>) semaphore(%arg7 : memref<!tpu.dma_semaphore, #tpu.memory_space<semaphore_mem>>)
    %dma_start3A_28 = arith.constant 0 : i32
    %dma_start3A_29 = arith.constant 0 : i32
    %dma_start3A_30 = arith.constant 0 : i32
    %dma_start3A_31 = tpu.memref_slice %arg6[%dma_start3A_28, %dma_start3A_29, %dma_start3A_30] : memref<2x384x128xf32, #tpu.memory_space<vmem>> -> memref<1x384x128xf32, #tpu.memory_space<vmem>>
    %dma_start3A_32 = tpu.memref_squeeze %dma_start3A_31 : memref<1x384x128xf32, #tpu.memory_space<vmem>> -> memref<384x128xf32, #tpu.memory_space<vmem>>
    %dma_start3A_33 = arith.constant 256 : i32
    %dma_start3A_34 = arith.constant 0 : i32
    %dma_start3A_35 = tpu.memref_slice %dma_start3A_32[%dma_start3A_33, %dma_start3A_34] : memref<384x128xf32, #tpu.memory_space<vmem>> -> memref<128x128xf32, #tpu.memory_space<vmem>>
    %dma_start3A_36 = arith.constant 256 : i32
    %dma_start3A_37 = tpu.memref_slice %arg5[%dma_start3A_36] : memref<1504xi32, #tpu.memory_space<vmem>> -> memref<128xi32, #tpu.memory_space<vmem>>
    %dma_start3A_38 = arith.constant 0 : i32
    %dma_start3A_39 = arith.constant 0 : i32
    %dma_start3A_40 = tpu.memref_slice %arg3[%dma_start3A_38, %dma_start3A_39] : memref<256x128xf32, #tpu.memory_space<hbm>> -> memref<256x128xf32, #tpu.memory_space<hbm>>
    tpu.enqueue_indirect_dma source(%dma_start3A_40 : memref<256x128xf32, #tpu.memory_space<hbm>>) target(%dma_start3A_35 : memref<128x128xf32, #tpu.memory_space<vmem>>) offsets(%dma_start3A_37 : memref<128xi32, #tpu.memory_space<vmem>>) semaphore(%arg7 : memref<!tpu.dma_semaphore, #tpu.memory_space<semaphore_mem>>)
    %dma_wait3A = arith.constant 0 : i32
    %dma_wait3A_41 = arith.constant 0 : i32
    %dma_wait3A_42 = arith.constant 0 : i32
    %dma_wait3A_43 = tpu.memref_slice %arg6[%dma_wait3A, %dma_wait3A_41, %dma_wait3A_42] : memref<2x384x128xf32, #tpu.memory_space<vmem>> -> memref<1x384x128xf32, #tpu.memory_space<vmem>>
    %dma_wait3A_44 = tpu.memref_squeeze %dma_wait3A_43 : memref<1x384x128xf32, #tpu.memory_space<vmem>> -> memref<384x128xf32, #tpu.memory_space<vmem>>
    %dma_wait3A_45 = arith.constant 0 : i32
    %dma_wait3A_46 = arith.constant 0 : i32
    %dma_wait3A_47 = tpu.memref_slice %dma_wait3A_44[%dma_wait3A_45, %dma_wait3A_46] : memref<384x128xf32, #tpu.memory_space<vmem>> -> memref<128x128xf32, #tpu.memory_space<vmem>>
    %dma_wait3A_48 = arith.constant 0 : i32
    %dma_wait3A_49 = tpu.memref_slice %arg5[%dma_wait3A_48] : memref<1504xi32, #tpu.memory_space<vmem>> -> memref<128xi32, #tpu.memory_space<vmem>>
    %dma_wait3A_50 = arith.constant 0 : i32
    %dma_wait3A_51 = arith.constant 0 : i32
    %dma_wait3A_52 = tpu.memref_slice %arg3[%dma_wait3A_50, %dma_wait3A_51] : memref<256x128xf32, #tpu.memory_space<hbm>> -> memref<256x128xf32, #tpu.memory_space<hbm>>
    tpu.wait_indirect_dma semaphore(%arg7 : memref<!tpu.dma_semaphore, #tpu.memory_space<semaphore_mem>>) src(%dma_wait3A_52 : memref<256x128xf32, #tpu.memory_space<hbm>>) dst(%dma_wait3A_47 : memref<128x128xf32, #tpu.memory_space<vmem>>)
    %dma_wait3A_53 = arith.constant 0 : i32
    %dma_wait3A_54 = arith.constant 0 : i32
    %dma_wait3A_55 = arith.constant 0 : i32
    %dma_wait3A_56 = tpu.memref_slice %arg6[%dma_wait3A_53, %dma_wait3A_54, %dma_wait3A_55] : memref<2x384x128xf32, #tpu.memory_space<vmem>> -> memref<1x384x128xf32, #tpu.memory_space<vmem>>
    %dma_wait3A_57 = tpu.memref_squeeze %dma_wait3A_56 : memref<1x384x128xf32, #tpu.memory_space<vmem>> -> memref<384x128xf32, #tpu.memory_space<vmem>>
    %dma_wait3A_58 = arith.constant 128 : i32
    %dma_wait3A_59 = arith.constant 0 : i32
    %dma_wait3A_60 = tpu.memref_slice %dma_wait3A_57[%dma_wait3A_58, %dma_wait3A_59] : memref<384x128xf32, #tpu.memory_space<vmem>> -> memref<128x128xf32, #tpu.memory_space<vmem>>
    %dma_wait3A_61 = arith.constant 128 : i32
    %dma_wait3A_62 = tpu.memref_slice %arg5[%dma_wait3A_61] : memref<1504xi32, #tpu.memory_space<vmem>> -> memref<128xi32, #tpu.memory_space<vmem>>
    %dma_wait3A_63 = arith.constant 0 : i32
    %dma_wait3A_64 = arith.constant 0 : i32
    %dma_wait3A_65 = tpu.memref_slice %arg3[%dma_wait3A_63, %dma_wait3A_64] : memref<256x128xf32, #tpu.memory_space<hbm>> -> memref<256x128xf32, #tpu.memory_space<hbm>>
    tpu.wait_indirect_dma semaphore(%arg7 : memref<!tpu.dma_semaphore, #tpu.memory_space<semaphore_mem>>) src(%dma_wait3A_65 : memref<256x128xf32, #tpu.memory_space<hbm>>) dst(%dma_wait3A_60 : memref<128x128xf32, #tpu.memory_space<vmem>>)
    %dma_wait3A_66 = arith.constant 0 : i32
    %dma_wait3A_67 = arith.constant 0 : i32
    %dma_wait3A_68 = arith.constant 0 : i32
    %dma_wait3A_69 = tpu.memref_slice %arg6[%dma_wait3A_66, %dma_wait3A_67, %dma_wait3A_68] : memref<2x384x128xf32, #tpu.memory_space<vmem>> -> memref<1x384x128xf32, #tpu.memory_space<vmem>>
    %dma_wait3A_70 = tpu.memref_squeeze %dma_wait3A_69 : memref<1x384x128xf32, #tpu.memory_space<vmem>> -> memref<384x128xf32, #tpu.memory_space<vmem>>
    %dma_wait3A_71 = arith.constant 256 : i32
    %dma_wait3A_72 = arith.constant 0 : i32
    %dma_wait3A_73 = tpu.memref_slice %dma_wait3A_70[%dma_wait3A_71, %dma_wait3A_72] : memref<384x128xf32, #tpu.memory_space<vmem>> -> memref<128x128xf32, #tpu.memory_space<vmem>>
    %dma_wait3A_74 = arith.constant 256 : i32
    %dma_wait3A_75 = tpu.memref_slice %arg5[%dma_wait3A_74] : memref<1504xi32, #tpu.memory_space<vmem>> -> memref<128xi32, #tpu.memory_space<vmem>>
    %dma_wait3A_76 = arith.constant 0 : i32
    %dma_wait3A_77 = arith.constant 0 : i32
    %dma_wait3A_78 = tpu.memref_slice %arg3[%dma_wait3A_76, %dma_wait3A_77] : memref<256x128xf32, #tpu.memory_space<hbm>> -> memref<256x128xf32, #tpu.memory_space<hbm>>
    tpu.wait_indirect_dma semaphore(%arg7 : memref<!tpu.dma_semaphore, #tpu.memory_space<semaphore_mem>>) src(%dma_wait3A_78 : memref<256x128xf32, #tpu.memory_space<hbm>>) dst(%dma_wait3A_73 : memref<128x128xf32, #tpu.memory_space<vmem>>)
    %dma_start3A_79 = arith.constant 0 : i32
    %dma_start3A_80 = arith.constant 0 : i32
    %dma_start3A_81 = arith.constant 0 : i32
    %dma_start3A_82 = tpu.memref_slice %arg6[%dma_start3A_79, %dma_start3A_80, %dma_start3A_81] : memref<2x384x128xf32, #tpu.memory_space<vmem>> -> memref<1x384x128xf32, #tpu.memory_space<vmem>>
    %dma_start3A_83 = tpu.memref_squeeze %dma_start3A_82 : memref<1x384x128xf32, #tpu.memory_space<vmem>> -> memref<384x128xf32, #tpu.memory_space<vmem>>
    %dma_start3A_84 = arith.constant 0 : i32
    %dma_start3A_85 = arith.constant 0 : i32
    %dma_start3A_86 = tpu.memref_slice %dma_start3A_83[%dma_start3A_84, %dma_start3A_85] : memref<384x128xf32, #tpu.memory_space<vmem>> -> memref<384x128xf32, #tpu.memory_space<vmem>>
    %dma_start3A_87 = arith.constant 0 : i32
    %dma_start3A_88 = arith.constant 0 : i32
    %dma_start3A_89 = tpu.memref_slice %arg4[%add3A, %dma_start3A_87, %dma_start3A_88] : memref<32x1500x128xf32, #tpu.memory_space<hbm>> -> memref<1x384x128xf32, #tpu.memory_space<hbm>>
    %dma_start3A_90 = tpu.memref_squeeze %dma_start3A_89 : memref<1x384x128xf32, #tpu.memory_space<hbm>> -> memref<384x128xf32, #tpu.memory_space<hbm>>
    %dma_start3A_91 = arith.constant 0 : i32
    %dma_start3A_92 = arith.constant 0 : i32
    %dma_start3A_93 = tpu.memref_slice %arg4[%add3A, %dma_start3A_91, %dma_start3A_92] : memref<32x1500x128xf32, #tpu.memory_space<hbm>> -> memref<1x384x128xf32, #tpu.memory_space<hbm>>
    %dma_start3A_94 = tpu.memref_squeeze %dma_start3A_93 : memref<1x384x128xf32, #tpu.memory_space<hbm>> -> memref<384x128xf32, #tpu.memory_space<hbm>>
    %dma_start3A_95 = arith.constant 0 : i32
    %dma_start3A_96 = arith.constant 0 : i32
    %dma_start3A_97 = tpu.memref_slice %arg6[%dma_start3A_79, %dma_start3A_95, %dma_start3A_96] : memref<2x384x128xf32, #tpu.memory_space<vmem>> -> memref<1x384x128xf32, #tpu.memory_space<vmem>>
    %dma_start3A_98 = tpu.memref_squeeze %dma_start3A_97 : memref<1x384x128xf32, #tpu.memory_space<vmem>> -> memref<384x128xf32, #tpu.memory_space<vmem>>
    %dma_start3A_99 = arith.constant 0 : i32
    %dma_start3A_100 = arith.constant 0 : i32
    %dma_start3A_101 = tpu.memref_slice %dma_start3A_98[%dma_start3A_99, %dma_start3A_100] : memref<384x128xf32, #tpu.memory_space<vmem>> -> memref<384x128xf32, #tpu.memory_space<vmem>>
    tpu.enqueue_dma source(%dma_start3A_101 : memref<384x128xf32, #tpu.memory_space<vmem>>) target(%dma_start3A_94 : memref<384x128xf32, #tpu.memory_space<hbm>>) target_semaphore(%arg8 : memref<!tpu.dma_semaphore, #tpu.memory_space<semaphore_mem>>)
    %dma_start3A_102 = arith.constant 1 : i32
    %dma_start3A_103 = arith.constant 0 : i32
    %dma_start3A_104 = arith.constant 0 : i32
    %dma_start3A_105 = tpu.memref_slice %arg6[%dma_start3A_102, %dma_start3A_103, %dma_start3A_104] : memref<2x384x128xf32, #tpu.memory_space<vmem>> -> memref<1x384x128xf32, #tpu.memory_space<vmem>>
    %dma_start3A_106 = tpu.memref_squeeze %dma_start3A_105 : memref<1x384x128xf32, #tpu.memory_space<vmem>> -> memref<384x128xf32, #tpu.memory_space<vmem>>
    %dma_start3A_107 = arith.constant 0 : i32
    %dma_start3A_108 = arith.constant 0 : i32
    %dma_start3A_109 = tpu.memref_slice %dma_start3A_106[%dma_start3A_107, %dma_start3A_108] : memref<384x128xf32, #tpu.memory_space<vmem>> -> memref<128x128xf32, #tpu.memory_space<vmem>>
    %dma_start3A_110 = arith.constant 384 : i32
    %dma_start3A_111 = tpu.memref_slice %arg5[%dma_start3A_110] : memref<1504xi32, #tpu.memory_space<vmem>> -> memref<128xi32, #tpu.memory_space<vmem>>
    %dma_start3A_112 = arith.constant 0 : i32
    %dma_start3A_113 = arith.constant 0 : i32
    %dma_start3A_114 = tpu.memref_slice %arg3[%dma_start3A_112, %dma_start3A_113] : memref<256x128xf32, #tpu.memory_space<hbm>> -> memref<256x128xf32, #tpu.memory_space<hbm>>
    tpu.enqueue_indirect_dma source(%dma_start3A_114 : memref<256x128xf32, #tpu.memory_space<hbm>>) target(%dma_start3A_109 : memref<128x128xf32, #tpu.memory_space<vmem>>) offsets(%dma_start3A_111 : memref<128xi32, #tpu.memory_space<vmem>>) semaphore(%arg7 : memref<!tpu.dma_semaphore, #tpu.memory_space<semaphore_mem>>)
    %dma_start3A_115 = arith.constant 1 : i32
    %dma_start3A_116 = arith.constant 0 : i32
    %dma_start3A_117 = arith.constant 0 : i32
    %dma_start3A_118 = tpu.memref_slice %arg6[%dma_start3A_115, %dma_start3A_116, %dma_start3A_117] : memref<2x384x128xf32, #tpu.memory_space<vmem>> -> memref<1x384x128xf32, #tpu.memory_space<vmem>>
    %dma_start3A_119 = tpu.memref_squeeze %dma_start3A_118 : memref<1x384x128xf32, #tpu.memory_space<vmem>> -> memref<384x128xf32, #tpu.memory_space<vmem>>
    %dma_start3A_120 = arith.constant 128 : i32
    %dma_start3A_121 = arith.constant 0 : i32
    %dma_start3A_122 = tpu.memref_slice %dma_start3A_119[%dma_start3A_120, %dma_start3A_121] : memref<384x128xf32, #tpu.memory_space<vmem>> -> memref<128x128xf32, #tpu.memory_space<vmem>>
    %dma_start3A_123 = arith.constant 512 : i32
    %dma_start3A_124 = tpu.memref_slice %arg5[%dma_start3A_123] : memref<1504xi32, #tpu.memory_space<vmem>> -> memref<128xi32, #tpu.memory_space<vmem>>
    %dma_start3A_125 = arith.constant 0 : i32
    %dma_start3A_126 = arith.constant 0 : i32
    %dma_start3A_127 = tpu.memref_slice %arg3[%dma_start3A_125, %dma_start3A_126] : memref<256x128xf32, #tpu.memory_space<hbm>> -> memref<256x128xf32, #tpu.memory_space<hbm>>
    tpu.enqueue_indirect_dma source(%dma_start3A_127 : memref<256x128xf32, #tpu.memory_space<hbm>>) target(%dma_start3A_122 : memref<128x128xf32, #tpu.memory_space<vmem>>) offsets(%dma_start3A_124 : memref<128xi32, #tpu.memory_space<vmem>>) semaphore(%arg7 : memref<!tpu.dma_semaphore, #tpu.memory_space<semaphore_mem>>)
    %dma_start3A_128 = arith.constant 1 : i32
    %dma_start3A_129 = arith.constant 0 : i32
    %dma_start3A_130 = arith.constant 0 : i32
    %dma_start3A_131 = tpu.memref_slice %arg6[%dma_start3A_128, %dma_start3A_129, %dma_start3A_130] : memref<2x384x128xf32, #tpu.memory_space<vmem>> -> memref<1x384x128xf32, #tpu.memory_space<vmem>>
    %dma_start3A_132 = tpu.memref_squeeze %dma_start3A_131 : memref<1x384x128xf32, #tpu.memory_space<vmem>> -> memref<384x128xf32, #tpu.memory_space<vmem>>
    %dma_start3A_133 = arith.constant 256 : i32
    %dma_start3A_134 = arith.constant 0 : i32
    %dma_start3A_135 = tpu.memref_slice %dma_start3A_132[%dma_start3A_133, %dma_start3A_134] : memref<384x128xf32, #tpu.memory_space<vmem>> -> memref<128x128xf32, #tpu.memory_space<vmem>>
    %dma_start3A_136 = arith.constant 640 : i32
    %dma_start3A_137 = tpu.memref_slice %arg5[%dma_start3A_136] : memref<1504xi32, #tpu.memory_space<vmem>> -> memref<128xi32, #tpu.memory_space<vmem>>
    %dma_start3A_138 = arith.constant 0 : i32
    %dma_start3A_139 = arith.constant 0 : i32
    %dma_start3A_140 = tpu.memref_slice %arg3[%dma_start3A_138, %dma_start3A_139] : memref<256x128xf32, #tpu.memory_space<hbm>> -> memref<256x128xf32, #tpu.memory_space<hbm>>
    tpu.enqueue_indirect_dma source(%dma_start3A_140 : memref<256x128xf32, #tpu.memory_space<hbm>>) target(%dma_start3A_135 : memref<128x128xf32, #tpu.memory_space<vmem>>) offsets(%dma_start3A_137 : memref<128xi32, #tpu.memory_space<vmem>>) semaphore(%arg7 : memref<!tpu.dma_semaphore, #tpu.memory_space<semaphore_mem>>)
    %dma_wait3A_141 = arith.constant 1 : i32
    %dma_wait3A_142 = arith.constant 0 : i32
    %dma_wait3A_143 = arith.constant 0 : i32
    %dma_wait3A_144 = tpu.memref_slice %arg6[%dma_wait3A_141, %dma_wait3A_142, %dma_wait3A_143] : memref<2x384x128xf32, #tpu.memory_space<vmem>> -> memref<1x384x128xf32, #tpu.memory_space<vmem>>
    %dma_wait3A_145 = tpu.memref_squeeze %dma_wait3A_144 : memref<1x384x128xf32, #tpu.memory_space<vmem>> -> memref<384x128xf32, #tpu.memory_space<vmem>>
    %dma_wait3A_146 = arith.constant 0 : i32
    %dma_wait3A_147 = arith.constant 0 : i32
    %dma_wait3A_148 = tpu.memref_slice %dma_wait3A_145[%dma_wait3A_146, %dma_wait3A_147] : memref<384x128xf32, #tpu.memory_space<vmem>> -> memref<128x128xf32, #tpu.memory_space<vmem>>
    %dma_wait3A_149 = arith.constant 384 : i32
    %dma_wait3A_150 = tpu.memref_slice %arg5[%dma_wait3A_149] : memref<1504xi32, #tpu.memory_space<vmem>> -> memref<128xi32, #tpu.memory_space<vmem>>
    %dma_wait3A_151 = arith.constant 0 : i32
    %dma_wait3A_152 = arith.constant 0 : i32
    %dma_wait3A_153 = tpu.memref_slice %arg3[%dma_wait3A_151, %dma_wait3A_152] : memref<256x128xf32, #tpu.memory_space<hbm>> -> memref<256x128xf32, #tpu.memory_space<hbm>>
    tpu.wait_indirect_dma semaphore(%arg7 : memref<!tpu.dma_semaphore, #tpu.memory_space<semaphore_mem>>) src(%dma_wait3A_153 : memref<256x128xf32, #tpu.memory_space<hbm>>) dst(%dma_wait3A_148 : memref<128x128xf32, #tpu.memory_space<vmem>>)
    %dma_wait3A_154 = arith.constant 1 : i32
    %dma_wait3A_155 = arith.constant 0 : i32
    %dma_wait3A_156 = arith.constant 0 : i32
    %dma_wait3A_157 = tpu.memref_slice %arg6[%dma_wait3A_154, %dma_wait3A_155, %dma_wait3A_156] : memref<2x384x128xf32, #tpu.memory_space<vmem>> -> memref<1x384x128xf32, #tpu.memory_space<vmem>>
    %dma_wait3A_158 = tpu.memref_squeeze %dma_wait3A_157 : memref<1x384x128xf32, #tpu.memory_space<vmem>> -> memref<384x128xf32, #tpu.memory_space<vmem>>
    %dma_wait3A_159 = arith.constant 128 : i32
    %dma_wait3A_160 = arith.constant 0 : i32
    %dma_wait3A_161 = tpu.memref_slice %dma_wait3A_158[%dma_wait3A_159, %dma_wait3A_160] : memref<384x128xf32, #tpu.memory_space<vmem>> -> memref<128x128xf32, #tpu.memory_space<vmem>>
    %dma_wait3A_162 = arith.constant 512 : i32
    %dma_wait3A_163 = tpu.memref_slice %arg5[%dma_wait3A_162] : memref<1504xi32, #tpu.memory_space<vmem>> -> memref<128xi32, #tpu.memory_space<vmem>>
    %dma_wait3A_164 = arith.constant 0 : i32
    %dma_wait3A_165 = arith.constant 0 : i32
    %dma_wait3A_166 = tpu.memref_slice %arg3[%dma_wait3A_164, %dma_wait3A_165] : memref<256x128xf32, #tpu.memory_space<hbm>> -> memref<256x128xf32, #tpu.memory_space<hbm>>
    tpu.wait_indirect_dma semaphore(%arg7 : memref<!tpu.dma_semaphore, #tpu.memory_space<semaphore_mem>>) src(%dma_wait3A_166 : memref<256x128xf32, #tpu.memory_space<hbm>>) dst(%dma_wait3A_161 : memref<128x128xf32, #tpu.memory_space<vmem>>)
    %dma_wait3A_167 = arith.constant 1 : i32
    %dma_wait3A_168 = arith.constant 0 : i32
    %dma_wait3A_169 = arith.constant 0 : i32
    %dma_wait3A_170 = tpu.memref_slice %arg6[%dma_wait3A_167, %dma_wait3A_168, %dma_wait3A_169] : memref<2x384x128xf32, #tpu.memory_space<vmem>> -> memref<1x384x128xf32, #tpu.memory_space<vmem>>
    %dma_wait3A_171 = tpu.memref_squeeze %dma_wait3A_170 : memref<1x384x128xf32, #tpu.memory_space<vmem>> -> memref<384x128xf32, #tpu.memory_space<vmem>>
    %dma_wait3A_172 = arith.constant 256 : i32
    %dma_wait3A_173 = arith.constant 0 : i32
    %dma_wait3A_174 = tpu.memref_slice %dma_wait3A_171[%dma_wait3A_172, %dma_wait3A_173] : memref<384x128xf32, #tpu.memory_space<vmem>> -> memref<128x128xf32, #tpu.memory_space<vmem>>
    %dma_wait3A_175 = arith.constant 640 : i32
    %dma_wait3A_176 = tpu.memref_slice %arg5[%dma_wait3A_175] : memref<1504xi32, #tpu.memory_space<vmem>> -> memref<128xi32, #tpu.memory_space<vmem>>
    %dma_wait3A_177 = arith.constant 0 : i32
    %dma_wait3A_178 = arith.constant 0 : i32
    %dma_wait3A_179 = tpu.memref_slice %arg3[%dma_wait3A_177, %dma_wait3A_178] : memref<256x128xf32, #tpu.memory_space<hbm>> -> memref<256x128xf32, #tpu.memory_space<hbm>>
    tpu.wait_indirect_dma semaphore(%arg7 : memref<!tpu.dma_semaphore, #tpu.memory_space<semaphore_mem>>) src(%dma_wait3A_179 : memref<256x128xf32, #tpu.memory_space<hbm>>) dst(%dma_wait3A_174 : memref<128x128xf32, #tpu.memory_space<vmem>>)
    %dma_start3A_180 = arith.constant 1 : i32
    %dma_start3A_181 = arith.constant 0 : i32
    %dma_start3A_182 = arith.constant 0 : i32
    %dma_start3A_183 = tpu.memref_slice %arg6[%dma_start3A_180, %dma_start3A_181, %dma_start3A_182] : memref<2x384x128xf32, #tpu.memory_space<vmem>> -> memref<1x384x128xf32, #tpu.memory_space<vmem>>
    %dma_start3A_184 = tpu.memref_squeeze %dma_start3A_183 : memref<1x384x128xf32, #tpu.memory_space<vmem>> -> memref<384x128xf32, #tpu.memory_space<vmem>>
    %dma_start3A_185 = arith.constant 0 : i32
    %dma_start3A_186 = arith.constant 0 : i32
    %dma_start3A_187 = tpu.memref_slice %dma_start3A_184[%dma_start3A_185, %dma_start3A_186] : memref<384x128xf32, #tpu.memory_space<vmem>> -> memref<384x128xf32, #tpu.memory_space<vmem>>
    %dma_start3A_188 = arith.constant 384 : i32
    %dma_start3A_189 = arith.constant 0 : i32
    %dma_start3A_190 = tpu.memref_slice %arg4[%add3A, %dma_start3A_188, %dma_start3A_189] : memref<32x1500x128xf32, #tpu.memory_space<hbm>> -> memref<1x384x128xf32, #tpu.memory_space<hbm>>
    %dma_start3A_191 = tpu.memref_squeeze %dma_start3A_190 : memref<1x384x128xf32, #tpu.memory_space<hbm>> -> memref<384x128xf32, #tpu.memory_space<hbm>>
    %dma_start3A_192 = arith.constant 384 : i32
    %dma_start3A_193 = arith.constant 0 : i32
    %dma_start3A_194 = tpu.memref_slice %arg4[%add3A, %dma_start3A_192, %dma_start3A_193] : memref<32x1500x128xf32, #tpu.memory_space<hbm>> -> memref<1x384x128xf32, #tpu.memory_space<hbm>>
    %dma_start3A_195 = tpu.memref_squeeze %dma_start3A_194 : memref<1x384x128xf32, #tpu.memory_space<hbm>> -> memref<384x128xf32, #tpu.memory_space<hbm>>
    %dma_start3A_196 = arith.constant 0 : i32
    %dma_start3A_197 = arith.constant 0 : i32
    %dma_start3A_198 = tpu.memref_slice %arg6[%dma_start3A_180, %dma_start3A_196, %dma_start3A_197] : memref<2x384x128xf32, #tpu.memory_space<vmem>> -> memref<1x384x128xf32, #tpu.memory_space<vmem>>
    %dma_start3A_199 = tpu.memref_squeeze %dma_start3A_198 : memref<1x384x128xf32, #tpu.memory_space<vmem>> -> memref<384x128xf32, #tpu.memory_space<vmem>>
    %dma_start3A_200 = arith.constant 0 : i32
    %dma_start3A_201 = arith.constant 0 : i32
    %dma_start3A_202 = tpu.memref_slice %dma_start3A_199[%dma_start3A_200, %dma_start3A_201] : memref<384x128xf32, #tpu.memory_space<vmem>> -> memref<384x128xf32, #tpu.memory_space<vmem>>
    tpu.enqueue_dma source(%dma_start3A_202 : memref<384x128xf32, #tpu.memory_space<vmem>>) target(%dma_start3A_195 : memref<384x128xf32, #tpu.memory_space<hbm>>) target_semaphore(%arg8 : memref<!tpu.dma_semaphore, #tpu.memory_space<semaphore_mem>>)
    %dma_start3A_203 = arith.constant 0 : i32
    %dma_start3A_204 = arith.constant 0 : i32
    %dma_start3A_205 = arith.constant 0 : i32
    %dma_start3A_206 = tpu.memref_slice %arg6[%dma_start3A_203, %dma_start3A_204, %dma_start3A_205] : memref<2x384x128xf32, #tpu.memory_space<vmem>> -> memref<1x384x128xf32, #tpu.memory_space<vmem>>
    %dma_start3A_207 = tpu.memref_squeeze %dma_start3A_206 : memref<1x384x128xf32, #tpu.memory_space<vmem>> -> memref<384x128xf32, #tpu.memory_space<vmem>>
    %dma_start3A_208 = arith.constant 0 : i32
    %dma_start3A_209 = arith.constant 0 : i32
    %dma_start3A_210 = tpu.memref_slice %dma_start3A_207[%dma_start3A_208, %dma_start3A_209] : memref<384x128xf32, #tpu.memory_space<vmem>> -> memref<128x128xf32, #tpu.memory_space<vmem>>
    %dma_start3A_211 = arith.constant 768 : i32
    %dma_start3A_212 = tpu.memref_slice %arg5[%dma_start3A_211] : memref<1504xi32, #tpu.memory_space<vmem>> -> memref<128xi32, #tpu.memory_space<vmem>>
    %dma_start3A_213 = arith.constant 0 : i32
    %dma_start3A_214 = arith.constant 0 : i32
    %dma_start3A_215 = tpu.memref_slice %arg3[%dma_start3A_213, %dma_start3A_214] : memref<256x128xf32, #tpu.memory_space<hbm>> -> memref<256x128xf32, #tpu.memory_space<hbm>>
    tpu.enqueue_indirect_dma source(%dma_start3A_215 : memref<256x128xf32, #tpu.memory_space<hbm>>) target(%dma_start3A_210 : memref<128x128xf32, #tpu.memory_space<vmem>>) offsets(%dma_start3A_212 : memref<128xi32, #tpu.memory_space<vmem>>) semaphore(%arg7 : memref<!tpu.dma_semaphore, #tpu.memory_space<semaphore_mem>>)
    %dma_start3A_216 = arith.constant 0 : i32
    %dma_start3A_217 = arith.constant 0 : i32
    %dma_start3A_218 = arith.constant 0 : i32
    %dma_start3A_219 = tpu.memref_slice %arg6[%dma_start3A_216, %dma_start3A_217, %dma_start3A_218] : memref<2x384x128xf32, #tpu.memory_space<vmem>> -> memref<1x384x128xf32, #tpu.memory_space<vmem>>
    %dma_start3A_220 = tpu.memref_squeeze %dma_start3A_219 : memref<1x384x128xf32, #tpu.memory_space<vmem>> -> memref<384x128xf32, #tpu.memory_space<vmem>>
    %dma_start3A_221 = arith.constant 128 : i32
    %dma_start3A_222 = arith.constant 0 : i32
    %dma_start3A_223 = tpu.memref_slice %dma_start3A_220[%dma_start3A_221, %dma_start3A_222] : memref<384x128xf32, #tpu.memory_space<vmem>> -> memref<128x128xf32, #tpu.memory_space<vmem>>
    %dma_start3A_224 = arith.constant 896 : i32
    %dma_start3A_225 = tpu.memref_slice %arg5[%dma_start3A_224] : memref<1504xi32, #tpu.memory_space<vmem>> -> memref<128xi32, #tpu.memory_space<vmem>>
    %dma_start3A_226 = arith.constant 0 : i32
    %dma_start3A_227 = arith.constant 0 : i32
    %dma_start3A_228 = tpu.memref_slice %arg3[%dma_start3A_226, %dma_start3A_227] : memref<256x128xf32, #tpu.memory_space<hbm>> -> memref<256x128xf32, #tpu.memory_space<hbm>>
    tpu.enqueue_indirect_dma source(%dma_start3A_228 : memref<256x128xf32, #tpu.memory_space<hbm>>) target(%dma_start3A_223 : memref<128x128xf32, #tpu.memory_space<vmem>>) offsets(%dma_start3A_225 : memref<128xi32, #tpu.memory_space<vmem>>) semaphore(%arg7 : memref<!tpu.dma_semaphore, #tpu.memory_space<semaphore_mem>>)
    %dma_start3A_229 = arith.constant 0 : i32
    %dma_start3A_230 = arith.constant 0 : i32
    %dma_start3A_231 = arith.constant 0 : i32
    %dma_start3A_232 = tpu.memref_slice %arg6[%dma_start3A_229, %dma_start3A_230, %dma_start3A_231] : memref<2x384x128xf32, #tpu.memory_space<vmem>> -> memref<1x384x128xf32, #tpu.memory_space<vmem>>
    %dma_start3A_233 = tpu.memref_squeeze %dma_start3A_232 : memref<1x384x128xf32, #tpu.memory_space<vmem>> -> memref<384x128xf32, #tpu.memory_space<vmem>>
    %dma_start3A_234 = arith.constant 256 : i32
    %dma_start3A_235 = arith.constant 0 : i32
    %dma_start3A_236 = tpu.memref_slice %dma_start3A_233[%dma_start3A_234, %dma_start3A_235] : memref<384x128xf32, #tpu.memory_space<vmem>> -> memref<128x128xf32, #tpu.memory_space<vmem>>
    %dma_start3A_237 = arith.constant 1024 : i32
    %dma_start3A_238 = tpu.memref_slice %arg5[%dma_start3A_237] : memref<1504xi32, #tpu.memory_space<vmem>> -> memref<128xi32, #tpu.memory_space<vmem>>
    %dma_start3A_239 = arith.constant 0 : i32
    %dma_start3A_240 = arith.constant 0 : i32
    %dma_start3A_241 = tpu.memref_slice %arg3[%dma_start3A_239, %dma_start3A_240] : memref<256x128xf32, #tpu.memory_space<hbm>> -> memref<256x128xf32, #tpu.memory_space<hbm>>
    tpu.enqueue_indirect_dma source(%dma_start3A_241 : memref<256x128xf32, #tpu.memory_space<hbm>>) target(%dma_start3A_236 : memref<128x128xf32, #tpu.memory_space<vmem>>) offsets(%dma_start3A_238 : memref<128xi32, #tpu.memory_space<vmem>>) semaphore(%arg7 : memref<!tpu.dma_semaphore, #tpu.memory_space<semaphore_mem>>)
    %dma_wait3A_242 = arith.constant 0 : i32
    %dma_wait3A_243 = arith.constant 0 : i32
    %dma_wait3A_244 = arith.constant 0 : i32
    %dma_wait3A_245 = tpu.memref_slice %arg6[%dma_wait3A_242, %dma_wait3A_243, %dma_wait3A_244] : memref<2x384x128xf32, #tpu.memory_space<vmem>> -> memref<1x384x128xf32, #tpu.memory_space<vmem>>
    %dma_wait3A_246 = tpu.memref_squeeze %dma_wait3A_245 : memref<1x384x128xf32, #tpu.memory_space<vmem>> -> memref<384x128xf32, #tpu.memory_space<vmem>>
    %dma_wait3A_247 = arith.constant 0 : i32
    %dma_wait3A_248 = arith.constant 0 : i32
    %dma_wait3A_249 = tpu.memref_slice %dma_wait3A_246[%dma_wait3A_247, %dma_wait3A_248] : memref<384x128xf32, #tpu.memory_space<vmem>> -> memref<384x128xf32, #tpu.memory_space<vmem>>
    %dma_wait3A_250 = arith.constant 0 : i32
    %dma_wait3A_251 = arith.constant 0 : i32
    %dma_wait3A_252 = tpu.memref_slice %arg4[%add3A, %dma_wait3A_250, %dma_wait3A_251] : memref<32x1500x128xf32, #tpu.memory_space<hbm>> -> memref<1x384x128xf32, #tpu.memory_space<hbm>>
    %dma_wait3A_253 = tpu.memref_squeeze %dma_wait3A_252 : memref<1x384x128xf32, #tpu.memory_space<hbm>> -> memref<384x128xf32, #tpu.memory_space<hbm>>
    %dma_wait3A_254 = arith.constant 0 : i32
    %dma_wait3A_255 = arith.constant 0 : i32
    %dma_wait3A_256 = tpu.memref_slice %arg4[%add3A, %dma_wait3A_254, %dma_wait3A_255] : memref<32x1500x128xf32, #tpu.memory_space<hbm>> -> memref<1x384x128xf32, #tpu.memory_space<hbm>>
    %dma_wait3A_257 = tpu.memref_squeeze %dma_wait3A_256 : memref<1x384x128xf32, #tpu.memory_space<hbm>> -> memref<384x128xf32, #tpu.memory_space<hbm>>
    %dma_wait3A_258 = arith.constant 0 : i32
    %dma_wait3A_259 = arith.constant 0 : i32
    %dma_wait3A_260 = tpu.memref_slice %arg6[%dma_wait3A_242, %dma_wait3A_258, %dma_wait3A_259] : memref<2x384x128xf32, #tpu.memory_space<vmem>> -> memref<1x384x128xf32, #tpu.memory_space<vmem>>
    %dma_wait3A_261 = tpu.memref_squeeze %dma_wait3A_260 : memref<1x384x128xf32, #tpu.memory_space<vmem>> -> memref<384x128xf32, #tpu.memory_space<vmem>>
    %dma_wait3A_262 = arith.constant 0 : i32
    %dma_wait3A_263 = arith.constant 0 : i32
    %dma_wait3A_264 = tpu.memref_slice %dma_wait3A_261[%dma_wait3A_262, %dma_wait3A_263] : memref<384x128xf32, #tpu.memory_space<vmem>> -> memref<384x128xf32, #tpu.memory_space<vmem>>
    tpu.wait_dma2 semaphore(%arg8 : memref<!tpu.dma_semaphore, #tpu.memory_space<semaphore_mem>>) src(%dma_wait3A_264 : memref<384x128xf32, #tpu.memory_space<vmem>>) dst(%dma_wait3A_257 : memref<384x128xf32, #tpu.memory_space<hbm>>)
    %dma_wait3A_265 = arith.constant 0 : i32
    %dma_wait3A_266 = arith.constant 0 : i32
    %dma_wait3A_267 = arith.constant 0 : i32
    %dma_wait3A_268 = tpu.memref_slice %arg6[%dma_wait3A_265, %dma_wait3A_266, %dma_wait3A_267] : memref<2x384x128xf32, #tpu.memory_space<vmem>> -> memref<1x384x128xf32, #tpu.memory_space<vmem>>
    %dma_wait3A_269 = tpu.memref_squeeze %dma_wait3A_268 : memref<1x384x128xf32, #tpu.memory_space<vmem>> -> memref<384x128xf32, #tpu.memory_space<vmem>>
    %dma_wait3A_270 = arith.constant 0 : i32
    %dma_wait3A_271 = arith.constant 0 : i32
    %dma_wait3A_272 = tpu.memref_slice %dma_wait3A_269[%dma_wait3A_270, %dma_wait3A_271] : memref<384x128xf32, #tpu.memory_space<vmem>> -> memref<128x128xf32, #tpu.memory_space<vmem>>
    %dma_wait3A_273 = arith.constant 768 : i32
    %dma_wait3A_274 = tpu.memref_slice %arg5[%dma_wait3A_273] : memref<1504xi32, #tpu.memory_space<vmem>> -> memref<128xi32, #tpu.memory_space<vmem>>
    %dma_wait3A_275 = arith.constant 0 : i32
    %dma_wait3A_276 = arith.constant 0 : i32
    %dma_wait3A_277 = tpu.memref_slice %arg3[%dma_wait3A_275, %dma_wait3A_276] : memref<256x128xf32, #tpu.memory_space<hbm>> -> memref<256x128xf32, #tpu.memory_space<hbm>>
    tpu.wait_indirect_dma semaphore(%arg7 : memref<!tpu.dma_semaphore, #tpu.memory_space<semaphore_mem>>) src(%dma_wait3A_277 : memref<256x128xf32, #tpu.memory_space<hbm>>) dst(%dma_wait3A_272 : memref<128x128xf32, #tpu.memory_space<vmem>>)
    %dma_wait3A_278 = arith.constant 0 : i32
    %dma_wait3A_279 = arith.constant 0 : i32
    %dma_wait3A_280 = arith.constant 0 : i32
    %dma_wait3A_281 = tpu.memref_slice %arg6[%dma_wait3A_278, %dma_wait3A_279, %dma_wait3A_280] : memref<2x384x128xf32, #tpu.memory_space<vmem>> -> memref<1x384x128xf32, #tpu.memory_space<vmem>>
    %dma_wait3A_282 = tpu.memref_squeeze %dma_wait3A_281 : memref<1x384x128xf32, #tpu.memory_space<vmem>> -> memref<384x128xf32, #tpu.memory_space<vmem>>
    %dma_wait3A_283 = arith.constant 128 : i32
    %dma_wait3A_284 = arith.constant 0 : i32
    %dma_wait3A_285 = tpu.memref_slice %dma_wait3A_282[%dma_wait3A_283, %dma_wait3A_284] : memref<384x128xf32, #tpu.memory_space<vmem>> -> memref<128x128xf32, #tpu.memory_space<vmem>>
    %dma_wait3A_286 = arith.constant 896 : i32
    %dma_wait3A_287 = tpu.memref_slice %arg5[%dma_wait3A_286] : memref<1504xi32, #tpu.memory_space<vmem>> -> memref<128xi32, #tpu.memory_space<vmem>>
    %dma_wait3A_288 = arith.constant 0 : i32
    %dma_wait3A_289 = arith.constant 0 : i32
    %dma_wait3A_290 = tpu.memref_slice %arg3[%dma_wait3A_288, %dma_wait3A_289] : memref<256x128xf32, #tpu.memory_space<hbm>> -> memref<256x128xf32, #tpu.memory_space<hbm>>
    tpu.wait_indirect_dma semaphore(%arg7 : memref<!tpu.dma_semaphore, #tpu.memory_space<semaphore_mem>>) src(%dma_wait3A_290 : memref<256x128xf32, #tpu.memory_space<hbm>>) dst(%dma_wait3A_285 : memref<128x128xf32, #tpu.memory_space<vmem>>)
    %dma_wait3A_291 = arith.constant 0 : i32
    %dma_wait3A_292 = arith.constant 0 : i32
    %dma_wait3A_293 = arith.constant 0 : i32
    %dma_wait3A_294 = tpu.memref_slice %arg6[%dma_wait3A_291, %dma_wait3A_292, %dma_wait3A_293] : memref<2x384x128xf32, #tpu.memory_space<vmem>> -> memref<1x384x128xf32, #tpu.memory_space<vmem>>
    %dma_wait3A_295 = tpu.memref_squeeze %dma_wait3A_294 : memref<1x384x128xf32, #tpu.memory_space<vmem>> -> memref<384x128xf32, #tpu.memory_space<vmem>>
    %dma_wait3A_296 = arith.constant 256 : i32
    %dma_wait3A_297 = arith.constant 0 : i32
    %dma_wait3A_298 = tpu.memref_slice %dma_wait3A_295[%dma_wait3A_296, %dma_wait3A_297] : memref<384x128xf32, #tpu.memory_space<vmem>> -> memref<128x128xf32, #tpu.memory_space<vmem>>
    %dma_wait3A_299 = arith.constant 1024 : i32
    %dma_wait3A_300 = tpu.memref_slice %arg5[%dma_wait3A_299] : memref<1504xi32, #tpu.memory_space<vmem>> -> memref<128xi32, #tpu.memory_space<vmem>>
    %dma_wait3A_301 = arith.constant 0 : i32
    %dma_wait3A_302 = arith.constant 0 : i32
    %dma_wait3A_303 = tpu.memref_slice %arg3[%dma_wait3A_301, %dma_wait3A_302] : memref<256x128xf32, #tpu.memory_space<hbm>> -> memref<256x128xf32, #tpu.memory_space<hbm>>
    tpu.wait_indirect_dma semaphore(%arg7 : memref<!tpu.dma_semaphore, #tpu.memory_space<semaphore_mem>>) src(%dma_wait3A_303 : memref<256x128xf32, #tpu.memory_space<hbm>>) dst(%dma_wait3A_298 : memref<128x128xf32, #tpu.memory_space<vmem>>)
    %dma_start3A_304 = arith.constant 0 : i32
    %dma_start3A_305 = arith.constant 0 : i32
    %dma_start3A_306 = arith.constant 0 : i32
    %dma_start3A_307 = tpu.memref_slice %arg6[%dma_start3A_304, %dma_start3A_305, %dma_start3A_306] : memref<2x384x128xf32, #tpu.memory_space<vmem>> -> memref<1x384x128xf32, #tpu.memory_space<vmem>>
    %dma_start3A_308 = tpu.memref_squeeze %dma_start3A_307 : memref<1x384x128xf32, #tpu.memory_space<vmem>> -> memref<384x128xf32, #tpu.memory_space<vmem>>
    %dma_start3A_309 = arith.constant 0 : i32
    %dma_start3A_310 = arith.constant 0 : i32
    %dma_start3A_311 = tpu.memref_slice %dma_start3A_308[%dma_start3A_309, %dma_start3A_310] : memref<384x128xf32, #tpu.memory_space<vmem>> -> memref<384x128xf32, #tpu.memory_space<vmem>>
    %dma_start3A_312 = arith.constant 768 : i32
    %dma_start3A_313 = arith.constant 0 : i32
    %dma_start3A_314 = tpu.memref_slice %arg4[%add3A, %dma_start3A_312, %dma_start3A_313] : memref<32x1500x128xf32, #tpu.memory_space<hbm>> -> memref<1x384x128xf32, #tpu.memory_space<hbm>>
    %dma_start3A_315 = tpu.memref_squeeze %dma_start3A_314 : memref<1x384x128xf32, #tpu.memory_space<hbm>> -> memref<384x128xf32, #tpu.memory_space<hbm>>
    %dma_start3A_316 = arith.constant 768 : i32
    %dma_start3A_317 = arith.constant 0 : i32
    %dma_start3A_318 = tpu.memref_slice %arg4[%add3A, %dma_start3A_316, %dma_start3A_317] : memref<32x1500x128xf32, #tpu.memory_space<hbm>> -> memref<1x384x128xf32, #tpu.memory_space<hbm>>
    %dma_start3A_319 = tpu.memref_squeeze %dma_start3A_318 : memref<1x384x128xf32, #tpu.memory_space<hbm>> -> memref<384x128xf32, #tpu.memory_space<hbm>>
    %dma_start3A_320 = arith.constant 0 : i32
    %dma_start3A_321 = arith.constant 0 : i32
    %dma_start3A_322 = tpu.memref_slice %arg6[%dma_start3A_304, %dma_start3A_320, %dma_start3A_321] : memref<2x384x128xf32, #tpu.memory_space<vmem>> -> memref<1x384x128xf32, #tpu.memory_space<vmem>>
    %dma_start3A_323 = tpu.memref_squeeze %dma_start3A_322 : memref<1x384x128xf32, #tpu.memory_space<vmem>> -> memref<384x128xf32, #tpu.memory_space<vmem>>
    %dma_start3A_324 = arith.constant 0 : i32
    %dma_start3A_325 = arith.constant 0 : i32
    %dma_start3A_326 = tpu.memref_slice %dma_start3A_323[%dma_start3A_324, %dma_start3A_325] : memref<384x128xf32, #tpu.memory_space<vmem>> -> memref<384x128xf32, #tpu.memory_space<vmem>>
    tpu.enqueue_dma source(%dma_start3A_326 : memref<384x128xf32, #tpu.memory_space<vmem>>) target(%dma_start3A_319 : memref<384x128xf32, #tpu.memory_space<hbm>>) target_semaphore(%arg8 : memref<!tpu.dma_semaphore, #tpu.memory_space<semaphore_mem>>)
    %dma_start3A_327 = arith.constant 1 : i32
    %dma_start3A_328 = arith.constant 0 : i32
    %dma_start3A_329 = arith.constant 0 : i32
    %dma_start3A_330 = tpu.memref_slice %arg6[%dma_start3A_327, %dma_start3A_328, %dma_start3A_329] : memref<2x384x128xf32, #tpu.memory_space<vmem>> -> memref<1x384x128xf32, #tpu.memory_space<vmem>>
    %dma_start3A_331 = tpu.memref_squeeze %dma_start3A_330 : memref<1x384x128xf32, #tpu.memory_space<vmem>> -> memref<384x128xf32, #tpu.memory_space<vmem>>
    %dma_start3A_332 = arith.constant 0 : i32
    %dma_start3A_333 = arith.constant 0 : i32
    %dma_start3A_334 = tpu.memref_slice %dma_start3A_331[%dma_start3A_332, %dma_start3A_333] : memref<384x128xf32, #tpu.memory_space<vmem>> -> memref<128x128xf32, #tpu.memory_space<vmem>>
    %dma_start3A_335 = arith.constant 1152 : i32
    %dma_start3A_336 = tpu.memref_slice %arg5[%dma_start3A_335] : memref<1504xi32, #tpu.memory_space<vmem>> -> memref<128xi32, #tpu.memory_space<vmem>>
    %dma_start3A_337 = arith.constant 0 : i32
    %dma_start3A_338 = arith.constant 0 : i32
    %dma_start3A_339 = tpu.memref_slice %arg3[%dma_start3A_337, %dma_start3A_338] : memref<256x128xf32, #tpu.memory_space<hbm>> -> memref<256x128xf32, #tpu.memory_space<hbm>>
    tpu.enqueue_indirect_dma source(%dma_start3A_339 : memref<256x128xf32, #tpu.memory_space<hbm>>) target(%dma_start3A_334 : memref<128x128xf32, #tpu.memory_space<vmem>>) offsets(%dma_start3A_336 : memref<128xi32, #tpu.memory_space<vmem>>) semaphore(%arg7 : memref<!tpu.dma_semaphore, #tpu.memory_space<semaphore_mem>>)
    %dma_start3A_340 = arith.constant 1 : i32
    %dma_start3A_341 = arith.constant 0 : i32
    %dma_start3A_342 = arith.constant 0 : i32
    %dma_start3A_343 = tpu.memref_slice %arg6[%dma_start3A_340, %dma_start3A_341, %dma_start3A_342] : memref<2x384x128xf32, #tpu.memory_space<vmem>> -> memref<1x384x128xf32, #tpu.memory_space<vmem>>
    %dma_start3A_344 = tpu.memref_squeeze %dma_start3A_343 : memref<1x384x128xf32, #tpu.memory_space<vmem>> -> memref<384x128xf32, #tpu.memory_space<vmem>>
    %dma_start3A_345 = arith.constant 128 : i32
    %dma_start3A_346 = arith.constant 0 : i32
    %dma_start3A_347 = tpu.memref_slice %dma_start3A_344[%dma_start3A_345, %dma_start3A_346] : memref<384x128xf32, #tpu.memory_space<vmem>> -> memref<128x128xf32, #tpu.memory_space<vmem>>
    %dma_start3A_348 = arith.constant 1280 : i32
    %dma_start3A_349 = tpu.memref_slice %arg5[%dma_start3A_348] : memref<1504xi32, #tpu.memory_space<vmem>> -> memref<128xi32, #tpu.memory_space<vmem>>
    %dma_start3A_350 = arith.constant 0 : i32
    %dma_start3A_351 = arith.constant 0 : i32
    %dma_start3A_352 = tpu.memref_slice %arg3[%dma_start3A_350, %dma_start3A_351] : memref<256x128xf32, #tpu.memory_space<hbm>> -> memref<256x128xf32, #tpu.memory_space<hbm>>
    tpu.enqueue_indirect_dma source(%dma_start3A_352 : memref<256x128xf32, #tpu.memory_space<hbm>>) target(%dma_start3A_347 : memref<128x128xf32, #tpu.memory_space<vmem>>) offsets(%dma_start3A_349 : memref<128xi32, #tpu.memory_space<vmem>>) semaphore(%arg7 : memref<!tpu.dma_semaphore, #tpu.memory_space<semaphore_mem>>)
    %dma_start3A_353 = arith.constant 1 : i32
    %dma_start3A_354 = arith.constant 0 : i32
    %dma_start3A_355 = arith.constant 0 : i32
    %dma_start3A_356 = tpu.memref_slice %arg6[%dma_start3A_353, %dma_start3A_354, %dma_start3A_355] : memref<2x384x128xf32, #tpu.memory_space<vmem>> -> memref<1x384x128xf32, #tpu.memory_space<vmem>>
    %dma_start3A_357 = tpu.memref_squeeze %dma_start3A_356 : memref<1x384x128xf32, #tpu.memory_space<vmem>> -> memref<384x128xf32, #tpu.memory_space<vmem>>
    %dma_start3A_358 = arith.constant 256 : i32
    %dma_start3A_359 = arith.constant 0 : i32
    %dma_start3A_360 = tpu.memref_slice %dma_start3A_357[%dma_start3A_358, %dma_start3A_359] : memref<384x128xf32, #tpu.memory_space<vmem>> -> memref<92x128xf32, #tpu.memory_space<vmem>>
    %dma_start3A_361 = arith.constant 1408 : i32
    %dma_start3A_362 = tpu.memref_slice %arg5[%dma_start3A_361] : memref<1504xi32, #tpu.memory_space<vmem>> -> memref<92xi32, #tpu.memory_space<vmem>>
    %dma_start3A_363 = arith.constant 0 : i32
    %dma_start3A_364 = arith.constant 0 : i32
    %dma_start3A_365 = tpu.memref_slice %arg3[%dma_start3A_363, %dma_start3A_364] : memref<256x128xf32, #tpu.memory_space<hbm>> -> memref<256x128xf32, #tpu.memory_space<hbm>>
    tpu.enqueue_indirect_dma source(%dma_start3A_365 : memref<256x128xf32, #tpu.memory_space<hbm>>) target(%dma_start3A_360 : memref<92x128xf32, #tpu.memory_space<vmem>>) offsets(%dma_start3A_362 : memref<92xi32, #tpu.memory_space<vmem>>) semaphore(%arg7 : memref<!tpu.dma_semaphore, #tpu.memory_space<semaphore_mem>>)
    %dma_wait3A_366 = arith.constant 1 : i32
    %dma_wait3A_367 = arith.constant 0 : i32
    %dma_wait3A_368 = arith.constant 0 : i32
    %dma_wait3A_369 = tpu.memref_slice %arg6[%dma_wait3A_366, %dma_wait3A_367, %dma_wait3A_368] : memref<2x384x128xf32, #tpu.memory_space<vmem>> -> memref<1x384x128xf32, #tpu.memory_space<vmem>>
    %dma_wait3A_370 = tpu.memref_squeeze %dma_wait3A_369 : memref<1x384x128xf32, #tpu.memory_space<vmem>> -> memref<384x128xf32, #tpu.memory_space<vmem>>
    %dma_wait3A_371 = arith.constant 0 : i32
    %dma_wait3A_372 = arith.constant 0 : i32
    %dma_wait3A_373 = tpu.memref_slice %dma_wait3A_370[%dma_wait3A_371, %dma_wait3A_372] : memref<384x128xf32, #tpu.memory_space<vmem>> -> memref<384x128xf32, #tpu.memory_space<vmem>>
    %dma_wait3A_374 = arith.constant 384 : i32
    %dma_wait3A_375 = arith.constant 0 : i32
    %dma_wait3A_376 = tpu.memref_slice %arg4[%add3A, %dma_wait3A_374, %dma_wait3A_375] : memref<32x1500x128xf32, #tpu.memory_space<hbm>> -> memref<1x384x128xf32, #tpu.memory_space<hbm>>
    %dma_wait3A_377 = tpu.memref_squeeze %dma_wait3A_376 : memref<1x384x128xf32, #tpu.memory_space<hbm>> -> memref<384x128xf32, #tpu.memory_space<hbm>>
    %dma_wait3A_378 = arith.constant 384 : i32
    %dma_wait3A_379 = arith.constant 0 : i32
    %dma_wait3A_380 = tpu.memref_slice %arg4[%add3A, %dma_wait3A_378, %dma_wait3A_379] : memref<32x1500x128xf32, #tpu.memory_space<hbm>> -> memref<1x384x128xf32, #tpu.memory_space<hbm>>
    %dma_wait3A_381 = tpu.memref_squeeze %dma_wait3A_380 : memref<1x384x128xf32, #tpu.memory_space<hbm>> -> memref<384x128xf32, #tpu.memory_space<hbm>>
    %dma_wait3A_382 = arith.constant 0 : i32
    %dma_wait3A_383 = arith.constant 0 : i32
    %dma_wait3A_384 = tpu.memref_slice %arg6[%dma_wait3A_366, %dma_wait3A_382, %dma_wait3A_383] : memref<2x384x128xf32, #tpu.memory_space<vmem>> -> memref<1x384x128xf32, #tpu.memory_space<vmem>>
    %dma_wait3A_385 = tpu.memref_squeeze %dma_wait3A_384 : memref<1x384x128xf32, #tpu.memory_space<vmem>> -> memref<384x128xf32, #tpu.memory_space<vmem>>
    %dma_wait3A_386 = arith.constant 0 : i32
    %dma_wait3A_387 = arith.constant 0 : i32
    %dma_wait3A_388 = tpu.memref_slice %dma_wait3A_385[%dma_wait3A_386, %dma_wait3A_387] : memref<384x128xf32, #tpu.memory_space<vmem>> -> memref<384x128xf32, #tpu.memory_space<vmem>>
    tpu.wait_dma2 semaphore(%arg8 : memref<!tpu.dma_semaphore, #tpu.memory_space<semaphore_mem>>) src(%dma_wait3A_388 : memref<384x128xf32, #tpu.memory_space<vmem>>) dst(%dma_wait3A_381 : memref<384x128xf32, #tpu.memory_space<hbm>>)
    %dma_wait3A_389 = arith.constant 1 : i32
    %dma_wait3A_390 = arith.constant 0 : i32
    %dma_wait3A_391 = arith.constant 0 : i32
    %dma_wait3A_392 = tpu.memref_slice %arg6[%dma_wait3A_389, %dma_wait3A_390, %dma_wait3A_391] : memref<2x384x128xf32, #tpu.memory_space<vmem>> -> memref<1x384x128xf32, #tpu.memory_space<vmem>>
    %dma_wait3A_393 = tpu.memref_squeeze %dma_wait3A_392 : memref<1x384x128xf32, #tpu.memory_space<vmem>> -> memref<384x128xf32, #tpu.memory_space<vmem>>
    %dma_wait3A_394 = arith.constant 0 : i32
    %dma_wait3A_395 = arith.constant 0 : i32
    %dma_wait3A_396 = tpu.memref_slice %dma_wait3A_393[%dma_wait3A_394, %dma_wait3A_395] : memref<384x128xf32, #tpu.memory_space<vmem>> -> memref<128x128xf32, #tpu.memory_space<vmem>>
    %dma_wait3A_397 = arith.constant 1152 : i32
    %dma_wait3A_398 = tpu.memref_slice %arg5[%dma_wait3A_397] : memref<1504xi32, #tpu.memory_space<vmem>> -> memref<128xi32, #tpu.memory_space<vmem>>
    %dma_wait3A_399 = arith.constant 0 : i32
    %dma_wait3A_400 = arith.constant 0 : i32
    %dma_wait3A_401 = tpu.memref_slice %arg3[%dma_wait3A_399, %dma_wait3A_400] : memref<256x128xf32, #tpu.memory_space<hbm>> -> memref<256x128xf32, #tpu.memory_space<hbm>>
    tpu.wait_indirect_dma semaphore(%arg7 : memref<!tpu.dma_semaphore, #tpu.memory_space<semaphore_mem>>) src(%dma_wait3A_401 : memref<256x128xf32, #tpu.memory_space<hbm>>) dst(%dma_wait3A_396 : memref<128x128xf32, #tpu.memory_space<vmem>>)
    %dma_wait3A_402 = arith.constant 1 : i32
    %dma_wait3A_403 = arith.constant 0 : i32
    %dma_wait3A_404 = arith.constant 0 : i32
    %dma_wait3A_405 = tpu.memref_slice %arg6[%dma_wait3A_402, %dma_wait3A_403, %dma_wait3A_404] : memref<2x384x128xf32, #tpu.memory_space<vmem>> -> memref<1x384x128xf32, #tpu.memory_space<vmem>>
    %dma_wait3A_406 = tpu.memref_squeeze %dma_wait3A_405 : memref<1x384x128xf32, #tpu.memory_space<vmem>> -> memref<384x128xf32, #tpu.memory_space<vmem>>
    %dma_wait3A_407 = arith.constant 128 : i32
    %dma_wait3A_408 = arith.constant 0 : i32
    %dma_wait3A_409 = tpu.memref_slice %dma_wait3A_406[%dma_wait3A_407, %dma_wait3A_408] : memref<384x128xf32, #tpu.memory_space<vmem>> -> memref<128x128xf32, #tpu.memory_space<vmem>>
    %dma_wait3A_410 = arith.constant 1280 : i32
    %dma_wait3A_411 = tpu.memref_slice %arg5[%dma_wait3A_410] : memref<1504xi32, #tpu.memory_space<vmem>> -> memref<128xi32, #tpu.memory_space<vmem>>
    %dma_wait3A_412 = arith.constant 0 : i32
    %dma_wait3A_413 = arith.constant 0 : i32
    %dma_wait3A_414 = tpu.memref_slice %arg3[%dma_wait3A_412, %dma_wait3A_413] : memref<256x128xf32, #tpu.memory_space<hbm>> -> memref<256x128xf32, #tpu.memory_space<hbm>>
    tpu.wait_indirect_dma semaphore(%arg7 : memref<!tpu.dma_semaphore, #tpu.memory_space<semaphore_mem>>) src(%dma_wait3A_414 : memref<256x128xf32, #tpu.memory_space<hbm>>) dst(%dma_wait3A_409 : memref<128x128xf32, #tpu.memory_space<vmem>>)
    %dma_wait3A_415 = arith.constant 1 : i32
    %dma_wait3A_416 = arith.constant 0 : i32
    %dma_wait3A_417 = arith.constant 0 : i32
    %dma_wait3A_418 = tpu.memref_slice %arg6[%dma_wait3A_415, %dma_wait3A_416, %dma_wait3A_417] : memref<2x384x128xf32, #tpu.memory_space<vmem>> -> memref<1x384x128xf32, #tpu.memory_space<vmem>>
    %dma_wait3A_419 = tpu.memref_squeeze %dma_wait3A_418 : memref<1x384x128xf32, #tpu.memory_space<vmem>> -> memref<384x128xf32, #tpu.memory_space<vmem>>
    %dma_wait3A_420 = arith.constant 256 : i32
    %dma_wait3A_421 = arith.constant 0 : i32
    %dma_wait3A_422 = tpu.memref_slice %dma_wait3A_419[%dma_wait3A_420, %dma_wait3A_421] : memref<384x128xf32, #tpu.memory_space<vmem>> -> memref<92x128xf32, #tpu.memory_space<vmem>>
    %dma_wait3A_423 = arith.constant 1408 : i32
    %dma_wait3A_424 = tpu.memref_slice %arg5[%dma_wait3A_423] : memref<1504xi32, #tpu.memory_space<vmem>> -> memref<92xi32, #tpu.memory_space<vmem>>
    %dma_wait3A_425 = arith.constant 0 : i32
    %dma_wait3A_426 = arith.constant 0 : i32
    %dma_wait3A_427 = tpu.memref_slice %arg3[%dma_wait3A_425, %dma_wait3A_426] : memref<256x128xf32, #tpu.memory_space<hbm>> -> memref<256x128xf32, #tpu.memory_space<hbm>>
    tpu.wait_indirect_dma semaphore(%arg7 : memref<!tpu.dma_semaphore, #tpu.memory_space<semaphore_mem>>) src(%dma_wait3A_427 : memref<256x128xf32, #tpu.memory_space<hbm>>) dst(%dma_wait3A_422 : memref<92x128xf32, #tpu.memory_space<vmem>>)
    %dma_start3A_428 = arith.constant 1 : i32
    %dma_start3A_429 = arith.constant 0 : i32
    %dma_start3A_430 = arith.constant 0 : i32
    %dma_start3A_431 = tpu.memref_slice %arg6[%dma_start3A_428, %dma_start3A_429, %dma_start3A_430] : memref<2x384x128xf32, #tpu.memory_space<vmem>> -> memref<1x384x128xf32, #tpu.memory_space<vmem>>
    %dma_start3A_432 = tpu.memref_squeeze %dma_start3A_431 : memref<1x384x128xf32, #tpu.memory_space<vmem>> -> memref<384x128xf32, #tpu.memory_space<vmem>>
    %dma_start3A_433 = arith.constant 0 : i32
    %dma_start3A_434 = arith.constant 0 : i32
    %dma_start3A_435 = tpu.memref_slice %dma_start3A_432[%dma_start3A_433, %dma_start3A_434] : memref<384x128xf32, #tpu.memory_space<vmem>> -> memref<348x128xf32, #tpu.memory_space<vmem>>
    %dma_start3A_436 = arith.constant 1152 : i32
    %dma_start3A_437 = arith.constant 0 : i32
    %dma_start3A_438 = tpu.memref_slice %arg4[%add3A, %dma_start3A_436, %dma_start3A_437] : memref<32x1500x128xf32, #tpu.memory_space<hbm>> -> memref<1x348x128xf32, #tpu.memory_space<hbm>>
    %dma_start3A_439 = tpu.memref_squeeze %dma_start3A_438 : memref<1x348x128xf32, #tpu.memory_space<hbm>> -> memref<348x128xf32, #tpu.memory_space<hbm>>
    %dma_start3A_440 = arith.constant 1152 : i32
    %dma_start3A_441 = arith.constant 0 : i32
    %dma_start3A_442 = tpu.memref_slice %arg4[%add3A, %dma_start3A_440, %dma_start3A_441] : memref<32x1500x128xf32, #tpu.memory_space<hbm>> -> memref<1x348x128xf32, #tpu.memory_space<hbm>>
    %dma_start3A_443 = tpu.memref_squeeze %dma_start3A_442 : memref<1x348x128xf32, #tpu.memory_space<hbm>> -> memref<348x128xf32, #tpu.memory_space<hbm>>
    %dma_start3A_444 = arith.constant 0 : i32
    %dma_start3A_445 = arith.constant 0 : i32
    %dma_start3A_446 = tpu.memref_slice %arg6[%dma_start3A_428, %dma_start3A_444, %dma_start3A_445] : memref<2x384x128xf32, #tpu.memory_space<vmem>> -> memref<1x384x128xf32, #tpu.memory_space<vmem>>
    %dma_start3A_447 = tpu.memref_squeeze %dma_start3A_446 : memref<1x384x128xf32, #tpu.memory_space<vmem>> -> memref<384x128xf32, #tpu.memory_space<vmem>>
    %dma_start3A_448 = arith.constant 0 : i32
    %dma_start3A_449 = arith.constant 0 : i32
    %dma_start3A_450 = tpu.memref_slice %dma_start3A_447[%dma_start3A_448, %dma_start3A_449] : memref<384x128xf32, #tpu.memory_space<vmem>> -> memref<348x128xf32, #tpu.memory_space<vmem>>
    tpu.enqueue_dma source(%dma_start3A_450 : memref<348x128xf32, #tpu.memory_space<vmem>>) target(%dma_start3A_443 : memref<348x128xf32, #tpu.memory_space<hbm>>) target_semaphore(%arg8 : memref<!tpu.dma_semaphore, #tpu.memory_space<semaphore_mem>>)
    %dma_wait3A_451 = arith.constant 0 : i32
    %dma_wait3A_452 = arith.constant 0 : i32
    %dma_wait3A_453 = arith.constant 0 : i32
    %dma_wait3A_454 = tpu.memref_slice %arg6[%dma_wait3A_451, %dma_wait3A_452, %dma_wait3A_453] : memref<2x384x128xf32, #tpu.memory_space<vmem>> -> memref<1x384x128xf32, #tpu.memory_space<vmem>>
    %dma_wait3A_455 = tpu.memref_squeeze %dma_wait3A_454 : memref<1x384x128xf32, #tpu.memory_space<vmem>> -> memref<384x128xf32, #tpu.memory_space<vmem>>
    %dma_wait3A_456 = arith.constant 0 : i32
    %dma_wait3A_457 = arith.constant 0 : i32
    %dma_wait3A_458 = tpu.memref_slice %dma_wait3A_455[%dma_wait3A_456, %dma_wait3A_457] : memref<384x128xf32, #tpu.memory_space<vmem>> -> memref<384x128xf32, #tpu.memory_space<vmem>>
    %dma_wait3A_459 = arith.constant 768 : i32
    %dma_wait3A_460 = arith.constant 0 : i32
    %dma_wait3A_461 = tpu.memref_slice %arg4[%add3A, %dma_wait3A_459, %dma_wait3A_460] : memref<32x1500x128xf32, #tpu.memory_space<hbm>> -> memref<1x384x128xf32, #tpu.memory_space<hbm>>
    %dma_wait3A_462 = tpu.memref_squeeze %dma_wait3A_461 : memref<1x384x128xf32, #tpu.memory_space<hbm>> -> memref<384x128xf32, #tpu.memory_space<hbm>>
    %dma_wait3A_463 = arith.constant 768 : i32
    %dma_wait3A_464 = arith.constant 0 : i32
    %dma_wait3A_465 = tpu.memref_slice %arg4[%add3A, %dma_wait3A_463, %dma_wait3A_464] : memref<32x1500x128xf32, #tpu.memory_space<hbm>> -> memref<1x384x128xf32, #tpu.memory_space<hbm>>
    %dma_wait3A_466 = tpu.memref_squeeze %dma_wait3A_465 : memref<1x384x128xf32, #tpu.memory_space<hbm>> -> memref<384x128xf32, #tpu.memory_space<hbm>>
    %dma_wait3A_467 = arith.constant 0 : i32
    %dma_wait3A_468 = arith.constant 0 : i32
    %dma_wait3A_469 = tpu.memref_slice %arg6[%dma_wait3A_451, %dma_wait3A_467, %dma_wait3A_468] : memref<2x384x128xf32, #tpu.memory_space<vmem>> -> memref<1x384x128xf32, #tpu.memory_space<vmem>>
    %dma_wait3A_470 = tpu.memref_squeeze %dma_wait3A_469 : memref<1x384x128xf32, #tpu.memory_space<vmem>> -> memref<384x128xf32, #tpu.memory_space<vmem>>
    %dma_wait3A_471 = arith.constant 0 : i32
    %dma_wait3A_472 = arith.constant 0 : i32
    %dma_wait3A_473 = tpu.memref_slice %dma_wait3A_470[%dma_wait3A_471, %dma_wait3A_472] : memref<384x128xf32, #tpu.memory_space<vmem>> -> memref<384x128xf32, #tpu.memory_space<vmem>>
    tpu.wait_dma2 semaphore(%arg8 : memref<!tpu.dma_semaphore, #tpu.memory_space<semaphore_mem>>) src(%dma_wait3A_473 : memref<384x128xf32, #tpu.memory_space<vmem>>) dst(%dma_wait3A_466 : memref<384x128xf32, #tpu.memory_space<hbm>>)
    %dma_wait3A_474 = arith.constant 1 : i32
    %dma_wait3A_475 = arith.constant 0 : i32
    %dma_wait3A_476 = arith.constant 0 : i32
    %dma_wait3A_477 = tpu.memref_slice %arg6[%dma_wait3A_474, %dma_wait3A_475, %dma_wait3A_476] : memref<2x384x128xf32, #tpu.memory_space<vmem>> -> memref<1x384x128xf32, #tpu.memory_space<vmem>>
    %dma_wait3A_478 = tpu.memref_squeeze %dma_wait3A_477 : memref<1x384x128xf32, #tpu.memory_space<vmem>> -> memref<384x128xf32, #tpu.memory_space<vmem>>
    %dma_wait3A_479 = arith.constant 0 : i32
    %dma_wait3A_480 = arith.constant 0 : i32
    %dma_wait3A_481 = tpu.memref_slice %dma_wait3A_478[%dma_wait3A_479, %dma_wait3A_480] : memref<384x128xf32, #tpu.memory_space<vmem>> -> memref<348x128xf32, #tpu.memory_space<vmem>>
    %dma_wait3A_482 = arith.constant 1152 : i32
    %dma_wait3A_483 = arith.constant 0 : i32
    %dma_wait3A_484 = tpu.memref_slice %arg4[%add3A, %dma_wait3A_482, %dma_wait3A_483] : memref<32x1500x128xf32, #tpu.memory_space<hbm>> -> memref<1x348x128xf32, #tpu.memory_space<hbm>>
    %dma_wait3A_485 = tpu.memref_squeeze %dma_wait3A_484 : memref<1x348x128xf32, #tpu.memory_space<hbm>> -> memref<348x128xf32, #tpu.memory_space<hbm>>
    %dma_wait3A_486 = arith.constant 1152 : i32
    %dma_wait3A_487 = arith.constant 0 : i32
    %dma_wait3A_488 = tpu.memref_slice %arg4[%add3A, %dma_wait3A_486, %dma_wait3A_487] : memref<32x1500x128xf32, #tpu.memory_space<hbm>> -> memref<1x348x128xf32, #tpu.memory_space<hbm>>
    %dma_wait3A_489 = tpu.memref_squeeze %dma_wait3A_488 : memref<1x348x128xf32, #tpu.memory_space<hbm>> -> memref<348x128xf32, #tpu.memory_space<hbm>>
    %dma_wait3A_490 = arith.constant 0 : i32
    %dma_wait3A_491 = arith.constant 0 : i32
    %dma_wait3A_492 = tpu.memref_slice %arg6[%dma_wait3A_474, %dma_wait3A_490, %dma_wait3A_491] : memref<2x384x128xf32, #tpu.memory_space<vmem>> -> memref<1x384x128xf32, #tpu.memory_space<vmem>>
    %dma_wait3A_493 = tpu.memref_squeeze %dma_wait3A_492 : memref<1x384x128xf32, #tpu.memory_space<vmem>> -> memref<384x128xf32, #tpu.memory_space<vmem>>
    %dma_wait3A_494 = arith.constant 0 : i32
    %dma_wait3A_495 = arith.constant 0 : i32
    %dma_wait3A_496 = tpu.memref_slice %dma_wait3A_493[%dma_wait3A_494, %dma_wait3A_495] : memref<384x128xf32, #tpu.memory_space<vmem>> -> memref<348x128xf32, #tpu.memory_space<vmem>>
    tpu.wait_dma2 semaphore(%arg8 : memref<!tpu.dma_semaphore, #tpu.memory_space<semaphore_mem>>) src(%dma_wait3A_496 : memref<348x128xf32, #tpu.memory_space<vmem>>) dst(%dma_wait3A_489 : memref<348x128xf32, #tpu.memory_space<hbm>>)
    return
  }
}

module attributes {stable_mosaic.version = 14 : i64} {
  func.func @_tc_body(%arg0: i32, %arg1: memref<8x80x1500xf32, #tpu.memory_space<vmem>>, %arg2: memref<8x1x1500xf32, #tpu.memory_space<vmem>>, %arg3: memref<8x1500x128xf32, #tpu.memory_space<vmem>>, %arg4: memref<80x256xf32, #tpu.memory_space<vmem>>, %arg5: memref<1x256xf32, #tpu.memory_space<vmem>>, %arg6: memref<128x256xf32, #tpu.memory_space<vmem>>, %arg7: memref<1x256xf32, #tpu.memory_space<vmem>>, %arg8: memref<1x256xf32, #tpu.memory_space<vmem>>, %arg9: memref<1x256xf32, #tpu.memory_space<vmem>>, %arg10: memref<1500x8x256xf32, #tpu.memory_space<vmem>>) attributes {dimension_semantics = [#tpu.dimension_semantics<arbitrary>], iteration_bounds = array<i64: 4>, scalar_prefetch = 0 : i64, scratch_operands = 0 : i64, tpu.core_type = #tpu.core_type<tc>, window_params = [{transform_indices = @transform_0, window_bounds = array<i64: 8, 80, 1500>}, {transform_indices = @transform_1, window_bounds = array<i64: 8, 1, 1500>}, {transform_indices = @transform_2, window_bounds = array<i64: 8, 1500, 128>}, {pipeline_mode = #tpu.pipeline_mode<synchronous>, transform_indices = @transform_3, window_bounds = array<i64: 80, 256>}, {pipeline_mode = #tpu.pipeline_mode<synchronous>, transform_indices = @transform_4, window_bounds = array<i64: 1, 256>}, {pipeline_mode = #tpu.pipeline_mode<synchronous>, transform_indices = @transform_5, window_bounds = array<i64: 128, 256>}, {pipeline_mode = #tpu.pipeline_mode<synchronous>, transform_indices = @transform_6, window_bounds = array<i64: 1, 256>}, {pipeline_mode = #tpu.pipeline_mode<synchronous>, transform_indices = @transform_7, window_bounds = array<i64: 1, 256>}, {pipeline_mode = #tpu.pipeline_mode<synchronous>, transform_indices = @transform_8, window_bounds = array<i64: 1, 256>}, {transform_indices = @transform_9, window_bounds = array<i64: 1500, 8, 256>}]} {
    %get3A = arith.constant 0 : index
    %get3A_0 = arith.constant 0 : index
    %get3A_1 = arith.constant 0 : index
    %get3A_2 = vector.load %arg1[%get3A, %get3A_0, %get3A_1] : memref<8x80x1500xf32, #tpu.memory_space<vmem>>, vector<1x80x1500xf32>
    %get3A_3 = vector.shape_cast %get3A_2 : vector<1x80x1500xf32> to vector<80x1500xf32>
    %get3A_4 = arith.constant 0 : index
    %get3A_5 = arith.constant 0 : index
    %get3A_6 = vector.load %arg4[%get3A_4, %get3A_5] : memref<80x256xf32, #tpu.memory_space<vmem>>, vector<80x256xf32>
    %dot_general3A = arith.constant dense<0.000000e+00> : vector<1500x256xf32>
    %dot_general3A_7 = tpu.matmul %get3A_3, %get3A_6, %dot_general3A {dimension_numbers = #tpu.dot_dimension_numbers<[0], [0], [1], [1], [0, 1, 1, 1], [], []>, transpose_lhs_hint = false} : vector<80x1500xf32>, vector<80x256xf32>, vector<1500x256xf32> -> vector<1500x256xf32>
    %get3A_8 = arith.constant 0 : index
    %get3A_9 = arith.constant 0 : index
    %get3A_10 = arith.constant 0 : index
    %get3A_11 = vector.load %arg3[%get3A_8, %get3A_9, %get3A_10] : memref<8x1500x128xf32, #tpu.memory_space<vmem>>, vector<1x1500x128xf32>
    %get3A_12 = vector.shape_cast %get3A_11 : vector<1x1500x128xf32> to vector<1500x128xf32>
    %get3A_13 = arith.constant 0 : index
    %get3A_14 = arith.constant 0 : index
    %get3A_15 = vector.load %arg6[%get3A_13, %get3A_14] : memref<128x256xf32, #tpu.memory_space<vmem>>, vector<128x256xf32>
    %dot_general3A_16 = arith.constant dense<0.000000e+00> : vector<1500x256xf32>
    %dot_general3A_17 = tpu.matmul %get3A_12, %get3A_15, %dot_general3A_16 {dimension_numbers = #tpu.dot_dimension_numbers<[1], [0], [0], [1], [0, 0, 1, 1], [], []>, transpose_lhs_hint = false} : vector<1500x128xf32>, vector<128x256xf32>, vector<1500x256xf32> -> vector<1500x256xf32>
    %add3A = arith.addf %dot_general3A_7, %dot_general3A_17 : vector<1500x256xf32>
    %get3A_18 = arith.constant 0 : index
    %get3A_19 = arith.constant 0 : index
    %get3A_20 = arith.constant 0 : index
    %get3A_21 = vector.load %arg2[%get3A_18, %get3A_19, %get3A_20] : memref<8x1x1500xf32, #tpu.memory_space<vmem>>, vector<1x1x1500xf32>
    %get3A_22 = vector.shape_cast %get3A_21 : vector<1x1x1500xf32> to vector<1x1500xf32>
    %get3A_23 = arith.constant 0 : index
    %get3A_24 = arith.constant 0 : index
    %get3A_25 = vector.load %arg5[%get3A_23, %get3A_24] : memref<1x256xf32, #tpu.memory_space<vmem>>, vector<1x256xf32>
    %dot_general3A_26 = arith.constant dense<0.000000e+00> : vector<1500x256xf32>
    %dot_general3A_27 = tpu.matmul %get3A_22, %get3A_25, %dot_general3A_26 {dimension_numbers = #tpu.dot_dimension_numbers<[0], [0], [1], [1], [0, 1, 1, 1], [], []>, transpose_lhs_hint = false} : vector<1x1500xf32>, vector<1x256xf32>, vector<1500x256xf32> -> vector<1500x256xf32>
    %add3A_28 = arith.addf %add3A, %dot_general3A_27 : vector<1500x256xf32>
    %get3A_29 = arith.constant 0 : index
    %get3A_30 = arith.constant 0 : index
    %get3A_31 = vector.load %arg7[%get3A_29, %get3A_30] : memref<1x256xf32, #tpu.memory_space<vmem>>, vector<1x256xf32>
    %add3A_32 = vector.broadcast %get3A_31 : vector<1x256xf32> to vector<1500x256xf32>
    %add3A_33 = arith.addf %add3A_28, %add3A_32 : vector<1500x256xf32>
    %reduce_sum3A = arith.constant dense<0.000000e+00> : vector<1500xf32>
    %reduce_sum3A_34 = vector.multi_reduction <add>, %add3A_33, %reduce_sum3A [1] : vector<1500x256xf32> to vector<1500xf32>
    %broadcast_in_dim3A = vector.shape_cast %reduce_sum3A_34 : vector<1500xf32> to vector<1500x1xf32>
    %div3A = arith.constant 2.560000e+02 : f32
    %div3A_35 = vector.broadcast %div3A : f32 to vector<1500x1xf32>
    %div3A_36 = arith.divf %broadcast_in_dim3A, %div3A_35 : vector<1500x1xf32>
    %sub3A = vector.broadcast %div3A_36 : vector<1500x1xf32> to vector<1500x256xf32>
    %sub3A_37 = arith.subf %add3A_33, %sub3A : vector<1500x256xf32>
    %integer_pow3A = arith.mulf %sub3A_37, %sub3A_37 : vector<1500x256xf32>
    %reduce_sum3A_38 = arith.constant dense<0.000000e+00> : vector<1500xf32>
    %reduce_sum3A_39 = vector.multi_reduction <add>, %integer_pow3A, %reduce_sum3A_38 [1] : vector<1500x256xf32> to vector<1500xf32>
    %broadcast_in_dim3A_40 = vector.shape_cast %reduce_sum3A_39 : vector<1500xf32> to vector<1500x1xf32>
    %div3A_41 = arith.constant 2.560000e+02 : f32
    %div3A_42 = vector.broadcast %div3A_41 : f32 to vector<1500x1xf32>
    %div3A_43 = arith.divf %broadcast_in_dim3A_40, %div3A_42 : vector<1500x1xf32>
    %sub3A_44 = vector.broadcast %div3A_36 : vector<1500x1xf32> to vector<1500x256xf32>
    %sub3A_45 = arith.subf %add3A_33, %sub3A_44 : vector<1500x256xf32>
    %add3A_46 = arith.constant 9.99999974E-6 : f32
    %add3A_47 = vector.broadcast %add3A_46 : f32 to vector<1500x1xf32>
    %add3A_48 = arith.addf %div3A_43, %add3A_47 : vector<1500x1xf32>
    %rsqrt3A = math.rsqrt %add3A_48 : vector<1500x1xf32>
    %mul3A = vector.broadcast %rsqrt3A : vector<1500x1xf32> to vector<1500x256xf32>
    %mul3A_49 = arith.mulf %sub3A_45, %mul3A : vector<1500x256xf32>
    %get3A_50 = arith.constant 0 : index
    %get3A_51 = arith.constant 0 : index
    %get3A_52 = vector.load %arg8[%get3A_50, %get3A_51] : memref<1x256xf32, #tpu.memory_space<vmem>>, vector<1x256xf32>
    %mul3A_53 = vector.broadcast %get3A_52 : vector<1x256xf32> to vector<1500x256xf32>
    %mul3A_54 = arith.mulf %mul3A_49, %mul3A_53 : vector<1500x256xf32>
    %get3A_55 = arith.constant 0 : index
    %get3A_56 = arith.constant 0 : index
    %get3A_57 = vector.load %arg9[%get3A_55, %get3A_56] : memref<1x256xf32, #tpu.memory_space<vmem>>, vector<1x256xf32>
    %add3A_58 = vector.broadcast %get3A_57 : vector<1x256xf32> to vector<1500x256xf32>
    %add3A_59 = arith.addf %mul3A_54, %add3A_58 : vector<1500x256xf32>
    %mul3A_60 = arith.constant 5.000000e-01 : f32
    %mul3A_61 = vector.broadcast %mul3A_60 : f32 to vector<1500x256xf32>
    %mul3A_62 = arith.mulf %mul3A_61, %add3A_59 : vector<1500x256xf32>
    %mul3A_63 = arith.constant 0.707106769 : f32
    %mul3A_64 = vector.broadcast %mul3A_63 : f32 to vector<1500x256xf32>
    %mul3A_65 = arith.mulf %add3A_59, %mul3A_64 : vector<1500x256xf32>
    %erf3A = math.erf %mul3A_65 : vector<1500x256xf32>
    %add3A_66 = arith.constant 1.000000e+00 : f32
    %add3A_67 = vector.broadcast %add3A_66 : f32 to vector<1500x256xf32>
    %add3A_68 = arith.addf %add3A_67, %erf3A : vector<1500x256xf32>
    %mul3A_69 = arith.mulf %mul3A_62, %add3A_68 : vector<1500x256xf32>
    %get3A_70 = arith.constant 1 : index
    %get3A_71 = arith.constant 0 : index
    %get3A_72 = arith.constant 0 : index
    %get3A_73 = vector.load %arg1[%get3A_70, %get3A_71, %get3A_72] : memref<8x80x1500xf32, #tpu.memory_space<vmem>>, vector<1x80x1500xf32>
    %get3A_74 = vector.shape_cast %get3A_73 : vector<1x80x1500xf32> to vector<80x1500xf32>
    %get3A_75 = arith.constant 0 : index
    %get3A_76 = arith.constant 0 : index
    %get3A_77 = vector.load %arg4[%get3A_75, %get3A_76] : memref<80x256xf32, #tpu.memory_space<vmem>>, vector<80x256xf32>
    %dot_general3A_78 = arith.constant dense<0.000000e+00> : vector<1500x256xf32>
    %dot_general3A_79 = tpu.matmul %get3A_74, %get3A_77, %dot_general3A_78 {dimension_numbers = #tpu.dot_dimension_numbers<[0], [0], [1], [1], [0, 1, 1, 1], [], []>, transpose_lhs_hint = false} : vector<80x1500xf32>, vector<80x256xf32>, vector<1500x256xf32> -> vector<1500x256xf32>
    %get3A_80 = arith.constant 1 : index
    %get3A_81 = arith.constant 0 : index
    %get3A_82 = arith.constant 0 : index
    %get3A_83 = vector.load %arg3[%get3A_80, %get3A_81, %get3A_82] : memref<8x1500x128xf32, #tpu.memory_space<vmem>>, vector<1x1500x128xf32>
    %get3A_84 = vector.shape_cast %get3A_83 : vector<1x1500x128xf32> to vector<1500x128xf32>
    %get3A_85 = arith.constant 0 : index
    %get3A_86 = arith.constant 0 : index
    %get3A_87 = vector.load %arg6[%get3A_85, %get3A_86] : memref<128x256xf32, #tpu.memory_space<vmem>>, vector<128x256xf32>
    %dot_general3A_88 = arith.constant dense<0.000000e+00> : vector<1500x256xf32>
    %dot_general3A_89 = tpu.matmul %get3A_84, %get3A_87, %dot_general3A_88 {dimension_numbers = #tpu.dot_dimension_numbers<[1], [0], [0], [1], [0, 0, 1, 1], [], []>, transpose_lhs_hint = false} : vector<1500x128xf32>, vector<128x256xf32>, vector<1500x256xf32> -> vector<1500x256xf32>
    %add3A_90 = arith.addf %dot_general3A_79, %dot_general3A_89 : vector<1500x256xf32>
    %get3A_91 = arith.constant 1 : index
    %get3A_92 = arith.constant 0 : index
    %get3A_93 = arith.constant 0 : index
    %get3A_94 = vector.load %arg2[%get3A_91, %get3A_92, %get3A_93] : memref<8x1x1500xf32, #tpu.memory_space<vmem>>, vector<1x1x1500xf32>
    %get3A_95 = vector.shape_cast %get3A_94 : vector<1x1x1500xf32> to vector<1x1500xf32>
    %get3A_96 = arith.constant 0 : index
    %get3A_97 = arith.constant 0 : index
    %get3A_98 = vector.load %arg5[%get3A_96, %get3A_97] : memref<1x256xf32, #tpu.memory_space<vmem>>, vector<1x256xf32>
    %dot_general3A_99 = arith.constant dense<0.000000e+00> : vector<1500x256xf32>
    %dot_general3A_100 = tpu.matmul %get3A_95, %get3A_98, %dot_general3A_99 {dimension_numbers = #tpu.dot_dimension_numbers<[0], [0], [1], [1], [0, 1, 1, 1], [], []>, transpose_lhs_hint = false} : vector<1x1500xf32>, vector<1x256xf32>, vector<1500x256xf32> -> vector<1500x256xf32>
    %add3A_101 = arith.addf %add3A_90, %dot_general3A_100 : vector<1500x256xf32>
    %get3A_102 = arith.constant 0 : index
    %get3A_103 = arith.constant 0 : index
    %get3A_104 = vector.load %arg7[%get3A_102, %get3A_103] : memref<1x256xf32, #tpu.memory_space<vmem>>, vector<1x256xf32>
    %add3A_105 = vector.broadcast %get3A_104 : vector<1x256xf32> to vector<1500x256xf32>
    %add3A_106 = arith.addf %add3A_101, %add3A_105 : vector<1500x256xf32>
    %reduce_sum3A_107 = arith.constant dense<0.000000e+00> : vector<1500xf32>
    %reduce_sum3A_108 = vector.multi_reduction <add>, %add3A_106, %reduce_sum3A_107 [1] : vector<1500x256xf32> to vector<1500xf32>
    %broadcast_in_dim3A_109 = vector.shape_cast %reduce_sum3A_108 : vector<1500xf32> to vector<1500x1xf32>
    %div3A_110 = arith.constant 2.560000e+02 : f32
    %div3A_111 = vector.broadcast %div3A_110 : f32 to vector<1500x1xf32>
    %div3A_112 = arith.divf %broadcast_in_dim3A_109, %div3A_111 : vector<1500x1xf32>
    %sub3A_113 = vector.broadcast %div3A_112 : vector<1500x1xf32> to vector<1500x256xf32>
    %sub3A_114 = arith.subf %add3A_106, %sub3A_113 : vector<1500x256xf32>
    %integer_pow3A_115 = arith.mulf %sub3A_114, %sub3A_114 : vector<1500x256xf32>
    %reduce_sum3A_116 = arith.constant dense<0.000000e+00> : vector<1500xf32>
    %reduce_sum3A_117 = vector.multi_reduction <add>, %integer_pow3A_115, %reduce_sum3A_116 [1] : vector<1500x256xf32> to vector<1500xf32>
    %broadcast_in_dim3A_118 = vector.shape_cast %reduce_sum3A_117 : vector<1500xf32> to vector<1500x1xf32>
    %div3A_119 = arith.constant 2.560000e+02 : f32
    %div3A_120 = vector.broadcast %div3A_119 : f32 to vector<1500x1xf32>
    %div3A_121 = arith.divf %broadcast_in_dim3A_118, %div3A_120 : vector<1500x1xf32>
    %sub3A_122 = vector.broadcast %div3A_112 : vector<1500x1xf32> to vector<1500x256xf32>
    %sub3A_123 = arith.subf %add3A_106, %sub3A_122 : vector<1500x256xf32>
    %add3A_124 = arith.constant 9.99999974E-6 : f32
    %add3A_125 = vector.broadcast %add3A_124 : f32 to vector<1500x1xf32>
    %add3A_126 = arith.addf %div3A_121, %add3A_125 : vector<1500x1xf32>
    %rsqrt3A_127 = math.rsqrt %add3A_126 : vector<1500x1xf32>
    %mul3A_128 = vector.broadcast %rsqrt3A_127 : vector<1500x1xf32> to vector<1500x256xf32>
    %mul3A_129 = arith.mulf %sub3A_123, %mul3A_128 : vector<1500x256xf32>
    %get3A_130 = arith.constant 0 : index
    %get3A_131 = arith.constant 0 : index
    %get3A_132 = vector.load %arg8[%get3A_130, %get3A_131] : memref<1x256xf32, #tpu.memory_space<vmem>>, vector<1x256xf32>
    %mul3A_133 = vector.broadcast %get3A_132 : vector<1x256xf32> to vector<1500x256xf32>
    %mul3A_134 = arith.mulf %mul3A_129, %mul3A_133 : vector<1500x256xf32>
    %get3A_135 = arith.constant 0 : index
    %get3A_136 = arith.constant 0 : index
    %get3A_137 = vector.load %arg9[%get3A_135, %get3A_136] : memref<1x256xf32, #tpu.memory_space<vmem>>, vector<1x256xf32>
    %add3A_138 = vector.broadcast %get3A_137 : vector<1x256xf32> to vector<1500x256xf32>
    %add3A_139 = arith.addf %mul3A_134, %add3A_138 : vector<1500x256xf32>
    %mul3A_140 = arith.constant 5.000000e-01 : f32
    %mul3A_141 = vector.broadcast %mul3A_140 : f32 to vector<1500x256xf32>
    %mul3A_142 = arith.mulf %mul3A_141, %add3A_139 : vector<1500x256xf32>
    %mul3A_143 = arith.constant 0.707106769 : f32
    %mul3A_144 = vector.broadcast %mul3A_143 : f32 to vector<1500x256xf32>
    %mul3A_145 = arith.mulf %add3A_139, %mul3A_144 : vector<1500x256xf32>
    %erf3A_146 = math.erf %mul3A_145 : vector<1500x256xf32>
    %add3A_147 = arith.constant 1.000000e+00 : f32
    %add3A_148 = vector.broadcast %add3A_147 : f32 to vector<1500x256xf32>
    %add3A_149 = arith.addf %add3A_148, %erf3A_146 : vector<1500x256xf32>
    %mul3A_150 = arith.mulf %mul3A_142, %add3A_149 : vector<1500x256xf32>
    %get3A_151 = arith.constant 2 : index
    %get3A_152 = arith.constant 0 : index
    %get3A_153 = arith.constant 0 : index
    %get3A_154 = vector.load %arg1[%get3A_151, %get3A_152, %get3A_153] : memref<8x80x1500xf32, #tpu.memory_space<vmem>>, vector<1x80x1500xf32>
    %get3A_155 = vector.shape_cast %get3A_154 : vector<1x80x1500xf32> to vector<80x1500xf32>
    %get3A_156 = arith.constant 0 : index
    %get3A_157 = arith.constant 0 : index
    %get3A_158 = vector.load %arg4[%get3A_156, %get3A_157] : memref<80x256xf32, #tpu.memory_space<vmem>>, vector<80x256xf32>
    %dot_general3A_159 = arith.constant dense<0.000000e+00> : vector<1500x256xf32>
    %dot_general3A_160 = tpu.matmul %get3A_155, %get3A_158, %dot_general3A_159 {dimension_numbers = #tpu.dot_dimension_numbers<[0], [0], [1], [1], [0, 1, 1, 1], [], []>, transpose_lhs_hint = false} : vector<80x1500xf32>, vector<80x256xf32>, vector<1500x256xf32> -> vector<1500x256xf32>
    %get3A_161 = arith.constant 2 : index
    %get3A_162 = arith.constant 0 : index
    %get3A_163 = arith.constant 0 : index
    %get3A_164 = vector.load %arg3[%get3A_161, %get3A_162, %get3A_163] : memref<8x1500x128xf32, #tpu.memory_space<vmem>>, vector<1x1500x128xf32>
    %get3A_165 = vector.shape_cast %get3A_164 : vector<1x1500x128xf32> to vector<1500x128xf32>
    %get3A_166 = arith.constant 0 : index
    %get3A_167 = arith.constant 0 : index
    %get3A_168 = vector.load %arg6[%get3A_166, %get3A_167] : memref<128x256xf32, #tpu.memory_space<vmem>>, vector<128x256xf32>
    %dot_general3A_169 = arith.constant dense<0.000000e+00> : vector<1500x256xf32>
    %dot_general3A_170 = tpu.matmul %get3A_165, %get3A_168, %dot_general3A_169 {dimension_numbers = #tpu.dot_dimension_numbers<[1], [0], [0], [1], [0, 0, 1, 1], [], []>, transpose_lhs_hint = false} : vector<1500x128xf32>, vector<128x256xf32>, vector<1500x256xf32> -> vector<1500x256xf32>
    %add3A_171 = arith.addf %dot_general3A_160, %dot_general3A_170 : vector<1500x256xf32>
    %get3A_172 = arith.constant 2 : index
    %get3A_173 = arith.constant 0 : index
    %get3A_174 = arith.constant 0 : index
    %get3A_175 = vector.load %arg2[%get3A_172, %get3A_173, %get3A_174] : memref<8x1x1500xf32, #tpu.memory_space<vmem>>, vector<1x1x1500xf32>
    %get3A_176 = vector.shape_cast %get3A_175 : vector<1x1x1500xf32> to vector<1x1500xf32>
    %get3A_177 = arith.constant 0 : index
    %get3A_178 = arith.constant 0 : index
    %get3A_179 = vector.load %arg5[%get3A_177, %get3A_178] : memref<1x256xf32, #tpu.memory_space<vmem>>, vector<1x256xf32>
    %dot_general3A_180 = arith.constant dense<0.000000e+00> : vector<1500x256xf32>
    %dot_general3A_181 = tpu.matmul %get3A_176, %get3A_179, %dot_general3A_180 {dimension_numbers = #tpu.dot_dimension_numbers<[0], [0], [1], [1], [0, 1, 1, 1], [], []>, transpose_lhs_hint = false} : vector<1x1500xf32>, vector<1x256xf32>, vector<1500x256xf32> -> vector<1500x256xf32>
    %add3A_182 = arith.addf %add3A_171, %dot_general3A_181 : vector<1500x256xf32>
    %get3A_183 = arith.constant 0 : index
    %get3A_184 = arith.constant 0 : index
    %get3A_185 = vector.load %arg7[%get3A_183, %get3A_184] : memref<1x256xf32, #tpu.memory_space<vmem>>, vector<1x256xf32>
    %add3A_186 = vector.broadcast %get3A_185 : vector<1x256xf32> to vector<1500x256xf32>
    %add3A_187 = arith.addf %add3A_182, %add3A_186 : vector<1500x256xf32>
    %reduce_sum3A_188 = arith.constant dense<0.000000e+00> : vector<1500xf32>
    %reduce_sum3A_189 = vector.multi_reduction <add>, %add3A_187, %reduce_sum3A_188 [1] : vector<1500x256xf32> to vector<1500xf32>
    %broadcast_in_dim3A_190 = vector.shape_cast %reduce_sum3A_189 : vector<1500xf32> to vector<1500x1xf32>
    %div3A_191 = arith.constant 2.560000e+02 : f32
    %div3A_192 = vector.broadcast %div3A_191 : f32 to vector<1500x1xf32>
    %div3A_193 = arith.divf %broadcast_in_dim3A_190, %div3A_192 : vector<1500x1xf32>
    %sub3A_194 = vector.broadcast %div3A_193 : vector<1500x1xf32> to vector<1500x256xf32>
    %sub3A_195 = arith.subf %add3A_187, %sub3A_194 : vector<1500x256xf32>
    %integer_pow3A_196 = arith.mulf %sub3A_195, %sub3A_195 : vector<1500x256xf32>
    %reduce_sum3A_197 = arith.constant dense<0.000000e+00> : vector<1500xf32>
    %reduce_sum3A_198 = vector.multi_reduction <add>, %integer_pow3A_196, %reduce_sum3A_197 [1] : vector<1500x256xf32> to vector<1500xf32>
    %broadcast_in_dim3A_199 = vector.shape_cast %reduce_sum3A_198 : vector<1500xf32> to vector<1500x1xf32>
    %div3A_200 = arith.constant 2.560000e+02 : f32
    %div3A_201 = vector.broadcast %div3A_200 : f32 to vector<1500x1xf32>
    %div3A_202 = arith.divf %broadcast_in_dim3A_199, %div3A_201 : vector<1500x1xf32>
    %sub3A_203 = vector.broadcast %div3A_193 : vector<1500x1xf32> to vector<1500x256xf32>
    %sub3A_204 = arith.subf %add3A_187, %sub3A_203 : vector<1500x256xf32>
    %add3A_205 = arith.constant 9.99999974E-6 : f32
    %add3A_206 = vector.broadcast %add3A_205 : f32 to vector<1500x1xf32>
    %add3A_207 = arith.addf %div3A_202, %add3A_206 : vector<1500x1xf32>
    %rsqrt3A_208 = math.rsqrt %add3A_207 : vector<1500x1xf32>
    %mul3A_209 = vector.broadcast %rsqrt3A_208 : vector<1500x1xf32> to vector<1500x256xf32>
    %mul3A_210 = arith.mulf %sub3A_204, %mul3A_209 : vector<1500x256xf32>
    %get3A_211 = arith.constant 0 : index
    %get3A_212 = arith.constant 0 : index
    %get3A_213 = vector.load %arg8[%get3A_211, %get3A_212] : memref<1x256xf32, #tpu.memory_space<vmem>>, vector<1x256xf32>
    %mul3A_214 = vector.broadcast %get3A_213 : vector<1x256xf32> to vector<1500x256xf32>
    %mul3A_215 = arith.mulf %mul3A_210, %mul3A_214 : vector<1500x256xf32>
    %get3A_216 = arith.constant 0 : index
    %get3A_217 = arith.constant 0 : index
    %get3A_218 = vector.load %arg9[%get3A_216, %get3A_217] : memref<1x256xf32, #tpu.memory_space<vmem>>, vector<1x256xf32>
    %add3A_219 = vector.broadcast %get3A_218 : vector<1x256xf32> to vector<1500x256xf32>
    %add3A_220 = arith.addf %mul3A_215, %add3A_219 : vector<1500x256xf32>
    %mul3A_221 = arith.constant 5.000000e-01 : f32
    %mul3A_222 = vector.broadcast %mul3A_221 : f32 to vector<1500x256xf32>
    %mul3A_223 = arith.mulf %mul3A_222, %add3A_220 : vector<1500x256xf32>
    %mul3A_224 = arith.constant 0.707106769 : f32
    %mul3A_225 = vector.broadcast %mul3A_224 : f32 to vector<1500x256xf32>
    %mul3A_226 = arith.mulf %add3A_220, %mul3A_225 : vector<1500x256xf32>
    %erf3A_227 = math.erf %mul3A_226 : vector<1500x256xf32>
    %add3A_228 = arith.constant 1.000000e+00 : f32
    %add3A_229 = vector.broadcast %add3A_228 : f32 to vector<1500x256xf32>
    %add3A_230 = arith.addf %add3A_229, %erf3A_227 : vector<1500x256xf32>
    %mul3A_231 = arith.mulf %mul3A_223, %add3A_230 : vector<1500x256xf32>
    %get3A_232 = arith.constant 3 : index
    %get3A_233 = arith.constant 0 : index
    %get3A_234 = arith.constant 0 : index
    %get3A_235 = vector.load %arg1[%get3A_232, %get3A_233, %get3A_234] : memref<8x80x1500xf32, #tpu.memory_space<vmem>>, vector<1x80x1500xf32>
    %get3A_236 = vector.shape_cast %get3A_235 : vector<1x80x1500xf32> to vector<80x1500xf32>
    %get3A_237 = arith.constant 0 : index
    %get3A_238 = arith.constant 0 : index
    %get3A_239 = vector.load %arg4[%get3A_237, %get3A_238] : memref<80x256xf32, #tpu.memory_space<vmem>>, vector<80x256xf32>
    %dot_general3A_240 = arith.constant dense<0.000000e+00> : vector<1500x256xf32>
    %dot_general3A_241 = tpu.matmul %get3A_236, %get3A_239, %dot_general3A_240 {dimension_numbers = #tpu.dot_dimension_numbers<[0], [0], [1], [1], [0, 1, 1, 1], [], []>, transpose_lhs_hint = false} : vector<80x1500xf32>, vector<80x256xf32>, vector<1500x256xf32> -> vector<1500x256xf32>
    %get3A_242 = arith.constant 3 : index
    %get3A_243 = arith.constant 0 : index
    %get3A_244 = arith.constant 0 : index
    %get3A_245 = vector.load %arg3[%get3A_242, %get3A_243, %get3A_244] : memref<8x1500x128xf32, #tpu.memory_space<vmem>>, vector<1x1500x128xf32>
    %get3A_246 = vector.shape_cast %get3A_245 : vector<1x1500x128xf32> to vector<1500x128xf32>
    %get3A_247 = arith.constant 0 : index
    %get3A_248 = arith.constant 0 : index
    %get3A_249 = vector.load %arg6[%get3A_247, %get3A_248] : memref<128x256xf32, #tpu.memory_space<vmem>>, vector<128x256xf32>
    %dot_general3A_250 = arith.constant dense<0.000000e+00> : vector<1500x256xf32>
    %dot_general3A_251 = tpu.matmul %get3A_246, %get3A_249, %dot_general3A_250 {dimension_numbers = #tpu.dot_dimension_numbers<[1], [0], [0], [1], [0, 0, 1, 1], [], []>, transpose_lhs_hint = false} : vector<1500x128xf32>, vector<128x256xf32>, vector<1500x256xf32> -> vector<1500x256xf32>
    %add3A_252 = arith.addf %dot_general3A_241, %dot_general3A_251 : vector<1500x256xf32>
    %get3A_253 = arith.constant 3 : index
    %get3A_254 = arith.constant 0 : index
    %get3A_255 = arith.constant 0 : index
    %get3A_256 = vector.load %arg2[%get3A_253, %get3A_254, %get3A_255] : memref<8x1x1500xf32, #tpu.memory_space<vmem>>, vector<1x1x1500xf32>
    %get3A_257 = vector.shape_cast %get3A_256 : vector<1x1x1500xf32> to vector<1x1500xf32>
    %get3A_258 = arith.constant 0 : index
    %get3A_259 = arith.constant 0 : index
    %get3A_260 = vector.load %arg5[%get3A_258, %get3A_259] : memref<1x256xf32, #tpu.memory_space<vmem>>, vector<1x256xf32>
    %dot_general3A_261 = arith.constant dense<0.000000e+00> : vector<1500x256xf32>
    %dot_general3A_262 = tpu.matmul %get3A_257, %get3A_260, %dot_general3A_261 {dimension_numbers = #tpu.dot_dimension_numbers<[0], [0], [1], [1], [0, 1, 1, 1], [], []>, transpose_lhs_hint = false} : vector<1x1500xf32>, vector<1x256xf32>, vector<1500x256xf32> -> vector<1500x256xf32>
    %add3A_263 = arith.addf %add3A_252, %dot_general3A_262 : vector<1500x256xf32>
    %get3A_264 = arith.constant 0 : index
    %get3A_265 = arith.constant 0 : index
    %get3A_266 = vector.load %arg7[%get3A_264, %get3A_265] : memref<1x256xf32, #tpu.memory_space<vmem>>, vector<1x256xf32>
    %add3A_267 = vector.broadcast %get3A_266 : vector<1x256xf32> to vector<1500x256xf32>
    %add3A_268 = arith.addf %add3A_263, %add3A_267 : vector<1500x256xf32>
    %reduce_sum3A_269 = arith.constant dense<0.000000e+00> : vector<1500xf32>
    %reduce_sum3A_270 = vector.multi_reduction <add>, %add3A_268, %reduce_sum3A_269 [1] : vector<1500x256xf32> to vector<1500xf32>
    %broadcast_in_dim3A_271 = vector.shape_cast %reduce_sum3A_270 : vector<1500xf32> to vector<1500x1xf32>
    %div3A_272 = arith.constant 2.560000e+02 : f32
    %div3A_273 = vector.broadcast %div3A_272 : f32 to vector<1500x1xf32>
    %div3A_274 = arith.divf %broadcast_in_dim3A_271, %div3A_273 : vector<1500x1xf32>
    %sub3A_275 = vector.broadcast %div3A_274 : vector<1500x1xf32> to vector<1500x256xf32>
    %sub3A_276 = arith.subf %add3A_268, %sub3A_275 : vector<1500x256xf32>
    %integer_pow3A_277 = arith.mulf %sub3A_276, %sub3A_276 : vector<1500x256xf32>
    %reduce_sum3A_278 = arith.constant dense<0.000000e+00> : vector<1500xf32>
    %reduce_sum3A_279 = vector.multi_reduction <add>, %integer_pow3A_277, %reduce_sum3A_278 [1] : vector<1500x256xf32> to vector<1500xf32>
    %broadcast_in_dim3A_280 = vector.shape_cast %reduce_sum3A_279 : vector<1500xf32> to vector<1500x1xf32>
    %div3A_281 = arith.constant 2.560000e+02 : f32
    %div3A_282 = vector.broadcast %div3A_281 : f32 to vector<1500x1xf32>
    %div3A_283 = arith.divf %broadcast_in_dim3A_280, %div3A_282 : vector<1500x1xf32>
    %sub3A_284 = vector.broadcast %div3A_274 : vector<1500x1xf32> to vector<1500x256xf32>
    %sub3A_285 = arith.subf %add3A_268, %sub3A_284 : vector<1500x256xf32>
    %add3A_286 = arith.constant 9.99999974E-6 : f32
    %add3A_287 = vector.broadcast %add3A_286 : f32 to vector<1500x1xf32>
    %add3A_288 = arith.addf %div3A_283, %add3A_287 : vector<1500x1xf32>
    %rsqrt3A_289 = math.rsqrt %add3A_288 : vector<1500x1xf32>
    %mul3A_290 = vector.broadcast %rsqrt3A_289 : vector<1500x1xf32> to vector<1500x256xf32>
    %mul3A_291 = arith.mulf %sub3A_285, %mul3A_290 : vector<1500x256xf32>
    %get3A_292 = arith.constant 0 : index
    %get3A_293 = arith.constant 0 : index
    %get3A_294 = vector.load %arg8[%get3A_292, %get3A_293] : memref<1x256xf32, #tpu.memory_space<vmem>>, vector<1x256xf32>
    %mul3A_295 = vector.broadcast %get3A_294 : vector<1x256xf32> to vector<1500x256xf32>
    %mul3A_296 = arith.mulf %mul3A_291, %mul3A_295 : vector<1500x256xf32>
    %get3A_297 = arith.constant 0 : index
    %get3A_298 = arith.constant 0 : index
    %get3A_299 = vector.load %arg9[%get3A_297, %get3A_298] : memref<1x256xf32, #tpu.memory_space<vmem>>, vector<1x256xf32>
    %add3A_300 = vector.broadcast %get3A_299 : vector<1x256xf32> to vector<1500x256xf32>
    %add3A_301 = arith.addf %mul3A_296, %add3A_300 : vector<1500x256xf32>
    %mul3A_302 = arith.constant 5.000000e-01 : f32
    %mul3A_303 = vector.broadcast %mul3A_302 : f32 to vector<1500x256xf32>
    %mul3A_304 = arith.mulf %mul3A_303, %add3A_301 : vector<1500x256xf32>
    %mul3A_305 = arith.constant 0.707106769 : f32
    %mul3A_306 = vector.broadcast %mul3A_305 : f32 to vector<1500x256xf32>
    %mul3A_307 = arith.mulf %add3A_301, %mul3A_306 : vector<1500x256xf32>
    %erf3A_308 = math.erf %mul3A_307 : vector<1500x256xf32>
    %add3A_309 = arith.constant 1.000000e+00 : f32
    %add3A_310 = vector.broadcast %add3A_309 : f32 to vector<1500x256xf32>
    %add3A_311 = arith.addf %add3A_310, %erf3A_308 : vector<1500x256xf32>
    %mul3A_312 = arith.mulf %mul3A_304, %add3A_311 : vector<1500x256xf32>
    %get3A_313 = arith.constant 4 : index
    %get3A_314 = arith.constant 0 : index
    %get3A_315 = arith.constant 0 : index
    %get3A_316 = vector.load %arg1[%get3A_313, %get3A_314, %get3A_315] : memref<8x80x1500xf32, #tpu.memory_space<vmem>>, vector<1x80x1500xf32>
    %get3A_317 = vector.shape_cast %get3A_316 : vector<1x80x1500xf32> to vector<80x1500xf32>
    %get3A_318 = arith.constant 0 : index
    %get3A_319 = arith.constant 0 : index
    %get3A_320 = vector.load %arg4[%get3A_318, %get3A_319] : memref<80x256xf32, #tpu.memory_space<vmem>>, vector<80x256xf32>
    %dot_general3A_321 = arith.constant dense<0.000000e+00> : vector<1500x256xf32>
    %dot_general3A_322 = tpu.matmul %get3A_317, %get3A_320, %dot_general3A_321 {dimension_numbers = #tpu.dot_dimension_numbers<[0], [0], [1], [1], [0, 1, 1, 1], [], []>, transpose_lhs_hint = false} : vector<80x1500xf32>, vector<80x256xf32>, vector<1500x256xf32> -> vector<1500x256xf32>
    %get3A_323 = arith.constant 4 : index
    %get3A_324 = arith.constant 0 : index
    %get3A_325 = arith.constant 0 : index
    %get3A_326 = vector.load %arg3[%get3A_323, %get3A_324, %get3A_325] : memref<8x1500x128xf32, #tpu.memory_space<vmem>>, vector<1x1500x128xf32>
    %get3A_327 = vector.shape_cast %get3A_326 : vector<1x1500x128xf32> to vector<1500x128xf32>
    %get3A_328 = arith.constant 0 : index
    %get3A_329 = arith.constant 0 : index
    %get3A_330 = vector.load %arg6[%get3A_328, %get3A_329] : memref<128x256xf32, #tpu.memory_space<vmem>>, vector<128x256xf32>
    %dot_general3A_331 = arith.constant dense<0.000000e+00> : vector<1500x256xf32>
    %dot_general3A_332 = tpu.matmul %get3A_327, %get3A_330, %dot_general3A_331 {dimension_numbers = #tpu.dot_dimension_numbers<[1], [0], [0], [1], [0, 0, 1, 1], [], []>, transpose_lhs_hint = false} : vector<1500x128xf32>, vector<128x256xf32>, vector<1500x256xf32> -> vector<1500x256xf32>
    %add3A_333 = arith.addf %dot_general3A_322, %dot_general3A_332 : vector<1500x256xf32>
    %get3A_334 = arith.constant 4 : index
    %get3A_335 = arith.constant 0 : index
    %get3A_336 = arith.constant 0 : index
    %get3A_337 = vector.load %arg2[%get3A_334, %get3A_335, %get3A_336] : memref<8x1x1500xf32, #tpu.memory_space<vmem>>, vector<1x1x1500xf32>
    %get3A_338 = vector.shape_cast %get3A_337 : vector<1x1x1500xf32> to vector<1x1500xf32>
    %get3A_339 = arith.constant 0 : index
    %get3A_340 = arith.constant 0 : index
    %get3A_341 = vector.load %arg5[%get3A_339, %get3A_340] : memref<1x256xf32, #tpu.memory_space<vmem>>, vector<1x256xf32>
    %dot_general3A_342 = arith.constant dense<0.000000e+00> : vector<1500x256xf32>
    %dot_general3A_343 = tpu.matmul %get3A_338, %get3A_341, %dot_general3A_342 {dimension_numbers = #tpu.dot_dimension_numbers<[0], [0], [1], [1], [0, 1, 1, 1], [], []>, transpose_lhs_hint = false} : vector<1x1500xf32>, vector<1x256xf32>, vector<1500x256xf32> -> vector<1500x256xf32>
    %add3A_344 = arith.addf %add3A_333, %dot_general3A_343 : vector<1500x256xf32>
    %get3A_345 = arith.constant 0 : index
    %get3A_346 = arith.constant 0 : index
    %get3A_347 = vector.load %arg7[%get3A_345, %get3A_346] : memref<1x256xf32, #tpu.memory_space<vmem>>, vector<1x256xf32>
    %add3A_348 = vector.broadcast %get3A_347 : vector<1x256xf32> to vector<1500x256xf32>
    %add3A_349 = arith.addf %add3A_344, %add3A_348 : vector<1500x256xf32>
    %reduce_sum3A_350 = arith.constant dense<0.000000e+00> : vector<1500xf32>
    %reduce_sum3A_351 = vector.multi_reduction <add>, %add3A_349, %reduce_sum3A_350 [1] : vector<1500x256xf32> to vector<1500xf32>
    %broadcast_in_dim3A_352 = vector.shape_cast %reduce_sum3A_351 : vector<1500xf32> to vector<1500x1xf32>
    %div3A_353 = arith.constant 2.560000e+02 : f32
    %div3A_354 = vector.broadcast %div3A_353 : f32 to vector<1500x1xf32>
    %div3A_355 = arith.divf %broadcast_in_dim3A_352, %div3A_354 : vector<1500x1xf32>
    %sub3A_356 = vector.broadcast %div3A_355 : vector<1500x1xf32> to vector<1500x256xf32>
    %sub3A_357 = arith.subf %add3A_349, %sub3A_356 : vector<1500x256xf32>
    %integer_pow3A_358 = arith.mulf %sub3A_357, %sub3A_357 : vector<1500x256xf32>
    %reduce_sum3A_359 = arith.constant dense<0.000000e+00> : vector<1500xf32>
    %reduce_sum3A_360 = vector.multi_reduction <add>, %integer_pow3A_358, %reduce_sum3A_359 [1] : vector<1500x256xf32> to vector<1500xf32>
    %broadcast_in_dim3A_361 = vector.shape_cast %reduce_sum3A_360 : vector<1500xf32> to vector<1500x1xf32>
    %div3A_362 = arith.constant 2.560000e+02 : f32
    %div3A_363 = vector.broadcast %div3A_362 : f32 to vector<1500x1xf32>
    %div3A_364 = arith.divf %broadcast_in_dim3A_361, %div3A_363 : vector<1500x1xf32>
    %sub3A_365 = vector.broadcast %div3A_355 : vector<1500x1xf32> to vector<1500x256xf32>
    %sub3A_366 = arith.subf %add3A_349, %sub3A_365 : vector<1500x256xf32>
    %add3A_367 = arith.constant 9.99999974E-6 : f32
    %add3A_368 = vector.broadcast %add3A_367 : f32 to vector<1500x1xf32>
    %add3A_369 = arith.addf %div3A_364, %add3A_368 : vector<1500x1xf32>
    %rsqrt3A_370 = math.rsqrt %add3A_369 : vector<1500x1xf32>
    %mul3A_371 = vector.broadcast %rsqrt3A_370 : vector<1500x1xf32> to vector<1500x256xf32>
    %mul3A_372 = arith.mulf %sub3A_366, %mul3A_371 : vector<1500x256xf32>
    %get3A_373 = arith.constant 0 : index
    %get3A_374 = arith.constant 0 : index
    %get3A_375 = vector.load %arg8[%get3A_373, %get3A_374] : memref<1x256xf32, #tpu.memory_space<vmem>>, vector<1x256xf32>
    %mul3A_376 = vector.broadcast %get3A_375 : vector<1x256xf32> to vector<1500x256xf32>
    %mul3A_377 = arith.mulf %mul3A_372, %mul3A_376 : vector<1500x256xf32>
    %get3A_378 = arith.constant 0 : index
    %get3A_379 = arith.constant 0 : index
    %get3A_380 = vector.load %arg9[%get3A_378, %get3A_379] : memref<1x256xf32, #tpu.memory_space<vmem>>, vector<1x256xf32>
    %add3A_381 = vector.broadcast %get3A_380 : vector<1x256xf32> to vector<1500x256xf32>
    %add3A_382 = arith.addf %mul3A_377, %add3A_381 : vector<1500x256xf32>
    %mul3A_383 = arith.constant 5.000000e-01 : f32
    %mul3A_384 = vector.broadcast %mul3A_383 : f32 to vector<1500x256xf32>
    %mul3A_385 = arith.mulf %mul3A_384, %add3A_382 : vector<1500x256xf32>
    %mul3A_386 = arith.constant 0.707106769 : f32
    %mul3A_387 = vector.broadcast %mul3A_386 : f32 to vector<1500x256xf32>
    %mul3A_388 = arith.mulf %add3A_382, %mul3A_387 : vector<1500x256xf32>
    %erf3A_389 = math.erf %mul3A_388 : vector<1500x256xf32>
    %add3A_390 = arith.constant 1.000000e+00 : f32
    %add3A_391 = vector.broadcast %add3A_390 : f32 to vector<1500x256xf32>
    %add3A_392 = arith.addf %add3A_391, %erf3A_389 : vector<1500x256xf32>
    %mul3A_393 = arith.mulf %mul3A_385, %add3A_392 : vector<1500x256xf32>
    %get3A_394 = arith.constant 5 : index
    %get3A_395 = arith.constant 0 : index
    %get3A_396 = arith.constant 0 : index
    %get3A_397 = vector.load %arg1[%get3A_394, %get3A_395, %get3A_396] : memref<8x80x1500xf32, #tpu.memory_space<vmem>>, vector<1x80x1500xf32>
    %get3A_398 = vector.shape_cast %get3A_397 : vector<1x80x1500xf32> to vector<80x1500xf32>
    %get3A_399 = arith.constant 0 : index
    %get3A_400 = arith.constant 0 : index
    %get3A_401 = vector.load %arg4[%get3A_399, %get3A_400] : memref<80x256xf32, #tpu.memory_space<vmem>>, vector<80x256xf32>
    %dot_general3A_402 = arith.constant dense<0.000000e+00> : vector<1500x256xf32>
    %dot_general3A_403 = tpu.matmul %get3A_398, %get3A_401, %dot_general3A_402 {dimension_numbers = #tpu.dot_dimension_numbers<[0], [0], [1], [1], [0, 1, 1, 1], [], []>, transpose_lhs_hint = false} : vector<80x1500xf32>, vector<80x256xf32>, vector<1500x256xf32> -> vector<1500x256xf32>
    %get3A_404 = arith.constant 5 : index
    %get3A_405 = arith.constant 0 : index
    %get3A_406 = arith.constant 0 : index
    %get3A_407 = vector.load %arg3[%get3A_404, %get3A_405, %get3A_406] : memref<8x1500x128xf32, #tpu.memory_space<vmem>>, vector<1x1500x128xf32>
    %get3A_408 = vector.shape_cast %get3A_407 : vector<1x1500x128xf32> to vector<1500x128xf32>
    %get3A_409 = arith.constant 0 : index
    %get3A_410 = arith.constant 0 : index
    %get3A_411 = vector.load %arg6[%get3A_409, %get3A_410] : memref<128x256xf32, #tpu.memory_space<vmem>>, vector<128x256xf32>
    %dot_general3A_412 = arith.constant dense<0.000000e+00> : vector<1500x256xf32>
    %dot_general3A_413 = tpu.matmul %get3A_408, %get3A_411, %dot_general3A_412 {dimension_numbers = #tpu.dot_dimension_numbers<[1], [0], [0], [1], [0, 0, 1, 1], [], []>, transpose_lhs_hint = false} : vector<1500x128xf32>, vector<128x256xf32>, vector<1500x256xf32> -> vector<1500x256xf32>
    %add3A_414 = arith.addf %dot_general3A_403, %dot_general3A_413 : vector<1500x256xf32>
    %get3A_415 = arith.constant 5 : index
    %get3A_416 = arith.constant 0 : index
    %get3A_417 = arith.constant 0 : index
    %get3A_418 = vector.load %arg2[%get3A_415, %get3A_416, %get3A_417] : memref<8x1x1500xf32, #tpu.memory_space<vmem>>, vector<1x1x1500xf32>
    %get3A_419 = vector.shape_cast %get3A_418 : vector<1x1x1500xf32> to vector<1x1500xf32>
    %get3A_420 = arith.constant 0 : index
    %get3A_421 = arith.constant 0 : index
    %get3A_422 = vector.load %arg5[%get3A_420, %get3A_421] : memref<1x256xf32, #tpu.memory_space<vmem>>, vector<1x256xf32>
    %dot_general3A_423 = arith.constant dense<0.000000e+00> : vector<1500x256xf32>
    %dot_general3A_424 = tpu.matmul %get3A_419, %get3A_422, %dot_general3A_423 {dimension_numbers = #tpu.dot_dimension_numbers<[0], [0], [1], [1], [0, 1, 1, 1], [], []>, transpose_lhs_hint = false} : vector<1x1500xf32>, vector<1x256xf32>, vector<1500x256xf32> -> vector<1500x256xf32>
    %add3A_425 = arith.addf %add3A_414, %dot_general3A_424 : vector<1500x256xf32>
    %get3A_426 = arith.constant 0 : index
    %get3A_427 = arith.constant 0 : index
    %get3A_428 = vector.load %arg7[%get3A_426, %get3A_427] : memref<1x256xf32, #tpu.memory_space<vmem>>, vector<1x256xf32>
    %add3A_429 = vector.broadcast %get3A_428 : vector<1x256xf32> to vector<1500x256xf32>
    %add3A_430 = arith.addf %add3A_425, %add3A_429 : vector<1500x256xf32>
    %reduce_sum3A_431 = arith.constant dense<0.000000e+00> : vector<1500xf32>
    %reduce_sum3A_432 = vector.multi_reduction <add>, %add3A_430, %reduce_sum3A_431 [1] : vector<1500x256xf32> to vector<1500xf32>
    %broadcast_in_dim3A_433 = vector.shape_cast %reduce_sum3A_432 : vector<1500xf32> to vector<1500x1xf32>
    %div3A_434 = arith.constant 2.560000e+02 : f32
    %div3A_435 = vector.broadcast %div3A_434 : f32 to vector<1500x1xf32>
    %div3A_436 = arith.divf %broadcast_in_dim3A_433, %div3A_435 : vector<1500x1xf32>
    %sub3A_437 = vector.broadcast %div3A_436 : vector<1500x1xf32> to vector<1500x256xf32>
    %sub3A_438 = arith.subf %add3A_430, %sub3A_437 : vector<1500x256xf32>
    %integer_pow3A_439 = arith.mulf %sub3A_438, %sub3A_438 : vector<1500x256xf32>
    %reduce_sum3A_440 = arith.constant dense<0.000000e+00> : vector<1500xf32>
    %reduce_sum3A_441 = vector.multi_reduction <add>, %integer_pow3A_439, %reduce_sum3A_440 [1] : vector<1500x256xf32> to vector<1500xf32>
    %broadcast_in_dim3A_442 = vector.shape_cast %reduce_sum3A_441 : vector<1500xf32> to vector<1500x1xf32>
    %div3A_443 = arith.constant 2.560000e+02 : f32
    %div3A_444 = vector.broadcast %div3A_443 : f32 to vector<1500x1xf32>
    %div3A_445 = arith.divf %broadcast_in_dim3A_442, %div3A_444 : vector<1500x1xf32>
    %sub3A_446 = vector.broadcast %div3A_436 : vector<1500x1xf32> to vector<1500x256xf32>
    %sub3A_447 = arith.subf %add3A_430, %sub3A_446 : vector<1500x256xf32>
    %add3A_448 = arith.constant 9.99999974E-6 : f32
    %add3A_449 = vector.broadcast %add3A_448 : f32 to vector<1500x1xf32>
    %add3A_450 = arith.addf %div3A_445, %add3A_449 : vector<1500x1xf32>
    %rsqrt3A_451 = math.rsqrt %add3A_450 : vector<1500x1xf32>
    %mul3A_452 = vector.broadcast %rsqrt3A_451 : vector<1500x1xf32> to vector<1500x256xf32>
    %mul3A_453 = arith.mulf %sub3A_447, %mul3A_452 : vector<1500x256xf32>
    %get3A_454 = arith.constant 0 : index
    %get3A_455 = arith.constant 0 : index
    %get3A_456 = vector.load %arg8[%get3A_454, %get3A_455] : memref<1x256xf32, #tpu.memory_space<vmem>>, vector<1x256xf32>
    %mul3A_457 = vector.broadcast %get3A_456 : vector<1x256xf32> to vector<1500x256xf32>
    %mul3A_458 = arith.mulf %mul3A_453, %mul3A_457 : vector<1500x256xf32>
    %get3A_459 = arith.constant 0 : index
    %get3A_460 = arith.constant 0 : index
    %get3A_461 = vector.load %arg9[%get3A_459, %get3A_460] : memref<1x256xf32, #tpu.memory_space<vmem>>, vector<1x256xf32>
    %add3A_462 = vector.broadcast %get3A_461 : vector<1x256xf32> to vector<1500x256xf32>
    %add3A_463 = arith.addf %mul3A_458, %add3A_462 : vector<1500x256xf32>
    %mul3A_464 = arith.constant 5.000000e-01 : f32
    %mul3A_465 = vector.broadcast %mul3A_464 : f32 to vector<1500x256xf32>
    %mul3A_466 = arith.mulf %mul3A_465, %add3A_463 : vector<1500x256xf32>
    %mul3A_467 = arith.constant 0.707106769 : f32
    %mul3A_468 = vector.broadcast %mul3A_467 : f32 to vector<1500x256xf32>
    %mul3A_469 = arith.mulf %add3A_463, %mul3A_468 : vector<1500x256xf32>
    %erf3A_470 = math.erf %mul3A_469 : vector<1500x256xf32>
    %add3A_471 = arith.constant 1.000000e+00 : f32
    %add3A_472 = vector.broadcast %add3A_471 : f32 to vector<1500x256xf32>
    %add3A_473 = arith.addf %add3A_472, %erf3A_470 : vector<1500x256xf32>
    %mul3A_474 = arith.mulf %mul3A_466, %add3A_473 : vector<1500x256xf32>
    %get3A_475 = arith.constant 6 : index
    %get3A_476 = arith.constant 0 : index
    %get3A_477 = arith.constant 0 : index
    %get3A_478 = vector.load %arg1[%get3A_475, %get3A_476, %get3A_477] : memref<8x80x1500xf32, #tpu.memory_space<vmem>>, vector<1x80x1500xf32>
    %get3A_479 = vector.shape_cast %get3A_478 : vector<1x80x1500xf32> to vector<80x1500xf32>
    %get3A_480 = arith.constant 0 : index
    %get3A_481 = arith.constant 0 : index
    %get3A_482 = vector.load %arg4[%get3A_480, %get3A_481] : memref<80x256xf32, #tpu.memory_space<vmem>>, vector<80x256xf32>
    %dot_general3A_483 = arith.constant dense<0.000000e+00> : vector<1500x256xf32>
    %dot_general3A_484 = tpu.matmul %get3A_479, %get3A_482, %dot_general3A_483 {dimension_numbers = #tpu.dot_dimension_numbers<[0], [0], [1], [1], [0, 1, 1, 1], [], []>, transpose_lhs_hint = false} : vector<80x1500xf32>, vector<80x256xf32>, vector<1500x256xf32> -> vector<1500x256xf32>
    %get3A_485 = arith.constant 6 : index
    %get3A_486 = arith.constant 0 : index
    %get3A_487 = arith.constant 0 : index
    %get3A_488 = vector.load %arg3[%get3A_485, %get3A_486, %get3A_487] : memref<8x1500x128xf32, #tpu.memory_space<vmem>>, vector<1x1500x128xf32>
    %get3A_489 = vector.shape_cast %get3A_488 : vector<1x1500x128xf32> to vector<1500x128xf32>
    %get3A_490 = arith.constant 0 : index
    %get3A_491 = arith.constant 0 : index
    %get3A_492 = vector.load %arg6[%get3A_490, %get3A_491] : memref<128x256xf32, #tpu.memory_space<vmem>>, vector<128x256xf32>
    %dot_general3A_493 = arith.constant dense<0.000000e+00> : vector<1500x256xf32>
    %dot_general3A_494 = tpu.matmul %get3A_489, %get3A_492, %dot_general3A_493 {dimension_numbers = #tpu.dot_dimension_numbers<[1], [0], [0], [1], [0, 0, 1, 1], [], []>, transpose_lhs_hint = false} : vector<1500x128xf32>, vector<128x256xf32>, vector<1500x256xf32> -> vector<1500x256xf32>
    %add3A_495 = arith.addf %dot_general3A_484, %dot_general3A_494 : vector<1500x256xf32>
    %get3A_496 = arith.constant 6 : index
    %get3A_497 = arith.constant 0 : index
    %get3A_498 = arith.constant 0 : index
    %get3A_499 = vector.load %arg2[%get3A_496, %get3A_497, %get3A_498] : memref<8x1x1500xf32, #tpu.memory_space<vmem>>, vector<1x1x1500xf32>
    %get3A_500 = vector.shape_cast %get3A_499 : vector<1x1x1500xf32> to vector<1x1500xf32>
    %get3A_501 = arith.constant 0 : index
    %get3A_502 = arith.constant 0 : index
    %get3A_503 = vector.load %arg5[%get3A_501, %get3A_502] : memref<1x256xf32, #tpu.memory_space<vmem>>, vector<1x256xf32>
    %dot_general3A_504 = arith.constant dense<0.000000e+00> : vector<1500x256xf32>
    %dot_general3A_505 = tpu.matmul %get3A_500, %get3A_503, %dot_general3A_504 {dimension_numbers = #tpu.dot_dimension_numbers<[0], [0], [1], [1], [0, 1, 1, 1], [], []>, transpose_lhs_hint = false} : vector<1x1500xf32>, vector<1x256xf32>, vector<1500x256xf32> -> vector<1500x256xf32>
    %add3A_506 = arith.addf %add3A_495, %dot_general3A_505 : vector<1500x256xf32>
    %get3A_507 = arith.constant 0 : index
    %get3A_508 = arith.constant 0 : index
    %get3A_509 = vector.load %arg7[%get3A_507, %get3A_508] : memref<1x256xf32, #tpu.memory_space<vmem>>, vector<1x256xf32>
    %add3A_510 = vector.broadcast %get3A_509 : vector<1x256xf32> to vector<1500x256xf32>
    %add3A_511 = arith.addf %add3A_506, %add3A_510 : vector<1500x256xf32>
    %reduce_sum3A_512 = arith.constant dense<0.000000e+00> : vector<1500xf32>
    %reduce_sum3A_513 = vector.multi_reduction <add>, %add3A_511, %reduce_sum3A_512 [1] : vector<1500x256xf32> to vector<1500xf32>
    %broadcast_in_dim3A_514 = vector.shape_cast %reduce_sum3A_513 : vector<1500xf32> to vector<1500x1xf32>
    %div3A_515 = arith.constant 2.560000e+02 : f32
    %div3A_516 = vector.broadcast %div3A_515 : f32 to vector<1500x1xf32>
    %div3A_517 = arith.divf %broadcast_in_dim3A_514, %div3A_516 : vector<1500x1xf32>
    %sub3A_518 = vector.broadcast %div3A_517 : vector<1500x1xf32> to vector<1500x256xf32>
    %sub3A_519 = arith.subf %add3A_511, %sub3A_518 : vector<1500x256xf32>
    %integer_pow3A_520 = arith.mulf %sub3A_519, %sub3A_519 : vector<1500x256xf32>
    %reduce_sum3A_521 = arith.constant dense<0.000000e+00> : vector<1500xf32>
    %reduce_sum3A_522 = vector.multi_reduction <add>, %integer_pow3A_520, %reduce_sum3A_521 [1] : vector<1500x256xf32> to vector<1500xf32>
    %broadcast_in_dim3A_523 = vector.shape_cast %reduce_sum3A_522 : vector<1500xf32> to vector<1500x1xf32>
    %div3A_524 = arith.constant 2.560000e+02 : f32
    %div3A_525 = vector.broadcast %div3A_524 : f32 to vector<1500x1xf32>
    %div3A_526 = arith.divf %broadcast_in_dim3A_523, %div3A_525 : vector<1500x1xf32>
    %sub3A_527 = vector.broadcast %div3A_517 : vector<1500x1xf32> to vector<1500x256xf32>
    %sub3A_528 = arith.subf %add3A_511, %sub3A_527 : vector<1500x256xf32>
    %add3A_529 = arith.constant 9.99999974E-6 : f32
    %add3A_530 = vector.broadcast %add3A_529 : f32 to vector<1500x1xf32>
    %add3A_531 = arith.addf %div3A_526, %add3A_530 : vector<1500x1xf32>
    %rsqrt3A_532 = math.rsqrt %add3A_531 : vector<1500x1xf32>
    %mul3A_533 = vector.broadcast %rsqrt3A_532 : vector<1500x1xf32> to vector<1500x256xf32>
    %mul3A_534 = arith.mulf %sub3A_528, %mul3A_533 : vector<1500x256xf32>
    %get3A_535 = arith.constant 0 : index
    %get3A_536 = arith.constant 0 : index
    %get3A_537 = vector.load %arg8[%get3A_535, %get3A_536] : memref<1x256xf32, #tpu.memory_space<vmem>>, vector<1x256xf32>
    %mul3A_538 = vector.broadcast %get3A_537 : vector<1x256xf32> to vector<1500x256xf32>
    %mul3A_539 = arith.mulf %mul3A_534, %mul3A_538 : vector<1500x256xf32>
    %get3A_540 = arith.constant 0 : index
    %get3A_541 = arith.constant 0 : index
    %get3A_542 = vector.load %arg9[%get3A_540, %get3A_541] : memref<1x256xf32, #tpu.memory_space<vmem>>, vector<1x256xf32>
    %add3A_543 = vector.broadcast %get3A_542 : vector<1x256xf32> to vector<1500x256xf32>
    %add3A_544 = arith.addf %mul3A_539, %add3A_543 : vector<1500x256xf32>
    %mul3A_545 = arith.constant 5.000000e-01 : f32
    %mul3A_546 = vector.broadcast %mul3A_545 : f32 to vector<1500x256xf32>
    %mul3A_547 = arith.mulf %mul3A_546, %add3A_544 : vector<1500x256xf32>
    %mul3A_548 = arith.constant 0.707106769 : f32
    %mul3A_549 = vector.broadcast %mul3A_548 : f32 to vector<1500x256xf32>
    %mul3A_550 = arith.mulf %add3A_544, %mul3A_549 : vector<1500x256xf32>
    %erf3A_551 = math.erf %mul3A_550 : vector<1500x256xf32>
    %add3A_552 = arith.constant 1.000000e+00 : f32
    %add3A_553 = vector.broadcast %add3A_552 : f32 to vector<1500x256xf32>
    %add3A_554 = arith.addf %add3A_553, %erf3A_551 : vector<1500x256xf32>
    %mul3A_555 = arith.mulf %mul3A_547, %add3A_554 : vector<1500x256xf32>
    %get3A_556 = arith.constant 7 : index
    %get3A_557 = arith.constant 0 : index
    %get3A_558 = arith.constant 0 : index
    %get3A_559 = vector.load %arg1[%get3A_556, %get3A_557, %get3A_558] : memref<8x80x1500xf32, #tpu.memory_space<vmem>>, vector<1x80x1500xf32>
    %get3A_560 = vector.shape_cast %get3A_559 : vector<1x80x1500xf32> to vector<80x1500xf32>
    %get3A_561 = arith.constant 0 : index
    %get3A_562 = arith.constant 0 : index
    %get3A_563 = vector.load %arg4[%get3A_561, %get3A_562] : memref<80x256xf32, #tpu.memory_space<vmem>>, vector<80x256xf32>
    %dot_general3A_564 = arith.constant dense<0.000000e+00> : vector<1500x256xf32>
    %dot_general3A_565 = tpu.matmul %get3A_560, %get3A_563, %dot_general3A_564 {dimension_numbers = #tpu.dot_dimension_numbers<[0], [0], [1], [1], [0, 1, 1, 1], [], []>, transpose_lhs_hint = false} : vector<80x1500xf32>, vector<80x256xf32>, vector<1500x256xf32> -> vector<1500x256xf32>
    %get3A_566 = arith.constant 7 : index
    %get3A_567 = arith.constant 0 : index
    %get3A_568 = arith.constant 0 : index
    %get3A_569 = vector.load %arg3[%get3A_566, %get3A_567, %get3A_568] : memref<8x1500x128xf32, #tpu.memory_space<vmem>>, vector<1x1500x128xf32>
    %get3A_570 = vector.shape_cast %get3A_569 : vector<1x1500x128xf32> to vector<1500x128xf32>
    %get3A_571 = arith.constant 0 : index
    %get3A_572 = arith.constant 0 : index
    %get3A_573 = vector.load %arg6[%get3A_571, %get3A_572] : memref<128x256xf32, #tpu.memory_space<vmem>>, vector<128x256xf32>
    %dot_general3A_574 = arith.constant dense<0.000000e+00> : vector<1500x256xf32>
    %dot_general3A_575 = tpu.matmul %get3A_570, %get3A_573, %dot_general3A_574 {dimension_numbers = #tpu.dot_dimension_numbers<[1], [0], [0], [1], [0, 0, 1, 1], [], []>, transpose_lhs_hint = false} : vector<1500x128xf32>, vector<128x256xf32>, vector<1500x256xf32> -> vector<1500x256xf32>
    %add3A_576 = arith.addf %dot_general3A_565, %dot_general3A_575 : vector<1500x256xf32>
    %get3A_577 = arith.constant 7 : index
    %get3A_578 = arith.constant 0 : index
    %get3A_579 = arith.constant 0 : index
    %get3A_580 = vector.load %arg2[%get3A_577, %get3A_578, %get3A_579] : memref<8x1x1500xf32, #tpu.memory_space<vmem>>, vector<1x1x1500xf32>
    %get3A_581 = vector.shape_cast %get3A_580 : vector<1x1x1500xf32> to vector<1x1500xf32>
    %get3A_582 = arith.constant 0 : index
    %get3A_583 = arith.constant 0 : index
    %get3A_584 = vector.load %arg5[%get3A_582, %get3A_583] : memref<1x256xf32, #tpu.memory_space<vmem>>, vector<1x256xf32>
    %dot_general3A_585 = arith.constant dense<0.000000e+00> : vector<1500x256xf32>
    %dot_general3A_586 = tpu.matmul %get3A_581, %get3A_584, %dot_general3A_585 {dimension_numbers = #tpu.dot_dimension_numbers<[0], [0], [1], [1], [0, 1, 1, 1], [], []>, transpose_lhs_hint = false} : vector<1x1500xf32>, vector<1x256xf32>, vector<1500x256xf32> -> vector<1500x256xf32>
    %add3A_587 = arith.addf %add3A_576, %dot_general3A_586 : vector<1500x256xf32>
    %get3A_588 = arith.constant 0 : index
    %get3A_589 = arith.constant 0 : index
    %get3A_590 = vector.load %arg7[%get3A_588, %get3A_589] : memref<1x256xf32, #tpu.memory_space<vmem>>, vector<1x256xf32>
    %add3A_591 = vector.broadcast %get3A_590 : vector<1x256xf32> to vector<1500x256xf32>
    %add3A_592 = arith.addf %add3A_587, %add3A_591 : vector<1500x256xf32>
    %reduce_sum3A_593 = arith.constant dense<0.000000e+00> : vector<1500xf32>
    %reduce_sum3A_594 = vector.multi_reduction <add>, %add3A_592, %reduce_sum3A_593 [1] : vector<1500x256xf32> to vector<1500xf32>
    %broadcast_in_dim3A_595 = vector.shape_cast %reduce_sum3A_594 : vector<1500xf32> to vector<1500x1xf32>
    %div3A_596 = arith.constant 2.560000e+02 : f32
    %div3A_597 = vector.broadcast %div3A_596 : f32 to vector<1500x1xf32>
    %div3A_598 = arith.divf %broadcast_in_dim3A_595, %div3A_597 : vector<1500x1xf32>
    %sub3A_599 = vector.broadcast %div3A_598 : vector<1500x1xf32> to vector<1500x256xf32>
    %sub3A_600 = arith.subf %add3A_592, %sub3A_599 : vector<1500x256xf32>
    %integer_pow3A_601 = arith.mulf %sub3A_600, %sub3A_600 : vector<1500x256xf32>
    %reduce_sum3A_602 = arith.constant dense<0.000000e+00> : vector<1500xf32>
    %reduce_sum3A_603 = vector.multi_reduction <add>, %integer_pow3A_601, %reduce_sum3A_602 [1] : vector<1500x256xf32> to vector<1500xf32>
    %broadcast_in_dim3A_604 = vector.shape_cast %reduce_sum3A_603 : vector<1500xf32> to vector<1500x1xf32>
    %div3A_605 = arith.constant 2.560000e+02 : f32
    %div3A_606 = vector.broadcast %div3A_605 : f32 to vector<1500x1xf32>
    %div3A_607 = arith.divf %broadcast_in_dim3A_604, %div3A_606 : vector<1500x1xf32>
    %sub3A_608 = vector.broadcast %div3A_598 : vector<1500x1xf32> to vector<1500x256xf32>
    %sub3A_609 = arith.subf %add3A_592, %sub3A_608 : vector<1500x256xf32>
    %add3A_610 = arith.constant 9.99999974E-6 : f32
    %add3A_611 = vector.broadcast %add3A_610 : f32 to vector<1500x1xf32>
    %add3A_612 = arith.addf %div3A_607, %add3A_611 : vector<1500x1xf32>
    %rsqrt3A_613 = math.rsqrt %add3A_612 : vector<1500x1xf32>
    %mul3A_614 = vector.broadcast %rsqrt3A_613 : vector<1500x1xf32> to vector<1500x256xf32>
    %mul3A_615 = arith.mulf %sub3A_609, %mul3A_614 : vector<1500x256xf32>
    %get3A_616 = arith.constant 0 : index
    %get3A_617 = arith.constant 0 : index
    %get3A_618 = vector.load %arg8[%get3A_616, %get3A_617] : memref<1x256xf32, #tpu.memory_space<vmem>>, vector<1x256xf32>
    %mul3A_619 = vector.broadcast %get3A_618 : vector<1x256xf32> to vector<1500x256xf32>
    %mul3A_620 = arith.mulf %mul3A_615, %mul3A_619 : vector<1500x256xf32>
    %get3A_621 = arith.constant 0 : index
    %get3A_622 = arith.constant 0 : index
    %get3A_623 = vector.load %arg9[%get3A_621, %get3A_622] : memref<1x256xf32, #tpu.memory_space<vmem>>, vector<1x256xf32>
    %add3A_624 = vector.broadcast %get3A_623 : vector<1x256xf32> to vector<1500x256xf32>
    %add3A_625 = arith.addf %mul3A_620, %add3A_624 : vector<1500x256xf32>
    %mul3A_626 = arith.constant 5.000000e-01 : f32
    %mul3A_627 = vector.broadcast %mul3A_626 : f32 to vector<1500x256xf32>
    %mul3A_628 = arith.mulf %mul3A_627, %add3A_625 : vector<1500x256xf32>
    %mul3A_629 = arith.constant 0.707106769 : f32
    %mul3A_630 = vector.broadcast %mul3A_629 : f32 to vector<1500x256xf32>
    %mul3A_631 = arith.mulf %add3A_625, %mul3A_630 : vector<1500x256xf32>
    %erf3A_632 = math.erf %mul3A_631 : vector<1500x256xf32>
    %add3A_633 = arith.constant 1.000000e+00 : f32
    %add3A_634 = vector.broadcast %add3A_633 : f32 to vector<1500x256xf32>
    %add3A_635 = arith.addf %add3A_634, %erf3A_632 : vector<1500x256xf32>
    %mul3A_636 = arith.mulf %mul3A_628, %add3A_635 : vector<1500x256xf32>
    %stack3A = vector.shape_cast %mul3A_69 : vector<1500x256xf32> to vector<1500x1x256xf32>
    %stack3A_637 = vector.shape_cast %mul3A_150 : vector<1500x256xf32> to vector<1500x1x256xf32>
    %stack3A_638 = vector.shape_cast %mul3A_231 : vector<1500x256xf32> to vector<1500x1x256xf32>
    %stack3A_639 = vector.shape_cast %mul3A_312 : vector<1500x256xf32> to vector<1500x1x256xf32>
    %stack3A_640 = vector.shape_cast %mul3A_393 : vector<1500x256xf32> to vector<1500x1x256xf32>
    %stack3A_641 = vector.shape_cast %mul3A_474 : vector<1500x256xf32> to vector<1500x1x256xf32>
    %stack3A_642 = vector.shape_cast %mul3A_555 : vector<1500x256xf32> to vector<1500x1x256xf32>
    %stack3A_643 = vector.shape_cast %mul3A_636 : vector<1500x256xf32> to vector<1500x1x256xf32>
    %stack3A_644 = tpu.concatenate %stack3A, %stack3A_637, %stack3A_638, %stack3A_639, %stack3A_640, %stack3A_641, %stack3A_642, %stack3A_643 in 1 : vector<1500x1x256xf32>, vector<1500x1x256xf32>, vector<1500x1x256xf32>, vector<1500x1x256xf32>, vector<1500x1x256xf32>, vector<1500x1x256xf32>, vector<1500x1x256xf32>, vector<1500x1x256xf32> -> vector<1500x8x256xf32>
    %swap3A = arith.constant 0 : index
    %swap3A_645 = arith.constant 0 : index
    %swap3A_646 = arith.constant 0 : index
    %swap3A_647 = vector.load %arg10[%swap3A, %swap3A_645, %swap3A_646] : memref<1500x8x256xf32, #tpu.memory_space<vmem>>, vector<1500x8x256xf32>
    tpu.vector_store %arg10[%swap3A, %swap3A_645, %swap3A_646], %stack3A_644 {strides = array<i32>} : memref<1500x8x256xf32, #tpu.memory_space<vmem>>, vector<1500x8x256xf32>,
    return
  }
  func.func @transform_0(%arg0: i32) -> (i32, i32, i32) {
    %c0_i32 = arith.constant 0 : i32
    %c0_i32_0 = arith.constant 0 : i32
    %c0_i32_1 = arith.constant 0 : i32
    return %arg0, %c0_i32, %c0_i32_0 : i32, i32, i32
  }
  func.func @transform_1(%arg0: i32) -> (i32, i32, i32) {
    %c0_i32 = arith.constant 0 : i32
    %c0_i32_0 = arith.constant 0 : i32
    %c0_i32_1 = arith.constant 0 : i32
    return %arg0, %c0_i32, %c0_i32_0 : i32, i32, i32
  }
  func.func @transform_2(%arg0: i32) -> (i32, i32, i32) {
    %c0_i32 = arith.constant 0 : i32
    %c0_i32_0 = arith.constant 0 : i32
    %c0_i32_1 = arith.constant 0 : i32
    return %arg0, %c0_i32, %c0_i32_0 : i32, i32, i32
  }
  func.func @transform_3(%arg0: i32) -> (i32, i32) {
    %c0_i32 = arith.constant 0 : i32
    %c0_i32_0 = arith.constant 0 : i32
    %c0_i32_1 = arith.constant 0 : i32
    return %c0_i32, %c0_i32_0 : i32, i32
  }
  func.func @transform_4(%arg0: i32) -> (i32, i32) {
    %c0_i32 = arith.constant 0 : i32
    %c0_i32_0 = arith.constant 0 : i32
    %c0_i32_1 = arith.constant 0 : i32
    return %c0_i32, %c0_i32_0 : i32, i32
  }
  func.func @transform_5(%arg0: i32) -> (i32, i32) {
    %c0_i32 = arith.constant 0 : i32
    %c0_i32_0 = arith.constant 0 : i32
    %c0_i32_1 = arith.constant 0 : i32
    return %c0_i32, %c0_i32_0 : i32, i32
  }
  func.func @transform_6(%arg0: i32) -> (i32, i32) {
    %c0_i32 = arith.constant 0 : i32
    %c0_i32_0 = arith.constant 0 : i32
    %c0_i32_1 = arith.constant 0 : i32
    return %c0_i32, %c0_i32_0 : i32, i32
  }
  func.func @transform_7(%arg0: i32) -> (i32, i32) {
    %c0_i32 = arith.constant 0 : i32
    %c0_i32_0 = arith.constant 0 : i32
    %c0_i32_1 = arith.constant 0 : i32
    return %c0_i32, %c0_i32_0 : i32, i32
  }
  func.func @transform_8(%arg0: i32) -> (i32, i32) {
    %c0_i32 = arith.constant 0 : i32
    %c0_i32_0 = arith.constant 0 : i32
    %c0_i32_1 = arith.constant 0 : i32
    return %c0_i32, %c0_i32_0 : i32, i32
  }
  func.func @transform_9(%arg0: i32) -> (i32, i32, i32) {
    %c0_i32 = arith.constant 0 : i32
    %c0_i32_0 = arith.constant 0 : i32
    %c0_i32_1 = arith.constant 0 : i32
    return %c0_i32, %arg0, %c0_i32_0 : i32, i32, i32
  }
}

</mosaic_0001>

<sc_bundles>
// kernel: kernel.4.cloned.1.call-start
scs
__scs_entry_jumppad:
0x0: {  	(pc) =	sbr.rel $0x88, $3  }
0x1: {  	(tag) =	ssettag $0x0;
	lr =	simm.s32 $0x1  }
0x2: {  	[smem:$0x3F97] =	sst lr;
	_ =	strace $0xD0000000  }
0x3: {  	_ = 	snop  }
0x4: {  	_ = 	snop  }
0x5: {  	_ = 	snop  }
0x6: {  	_ = 	snop  }
0x7: {  	_ = 	snop  }
__scs_overlays_trampoline_lowered:
0x8: {  	[smem:$0x3FA6] =	sst s0  }
0x9: {  	[smem:$0x3FA7] =	sst s1  }
0xa: {  	[smem:$0x3FA8] =	sst s2  }
0xb: {  	[smem:$0x3FA9] =	sst s3  }
0xc: {  	[smem:$0x3FAA] =	sst s4  }
0xd: {  	[smem:$0x3FAB] =	sst s5  }
0xe: {  	[smem:$0x3FAC] =	sst s6  }
0xf: {  	[smem:$0x3FAD] =	sst s7  }
0x10: {  	[smem:$0x3FAE] =	sst s8  }
0x11: {  	[smem:$0x3FAF] =	sst s9;
	s0 =	simm.s32 @!p0 $0x0  }
0x12: {  	s1 =	sld [smem:$0x3F95];
	s0 =	simm.s32 @p0 $0x1  }
0x13: {  	[smem:$0x3FB0] =	sst s0;
	s0 =	simm.s32 @!p1 $0x0  }
0x14: {  	s2 =	sld [smem:$0x3F94];
	s0 =	simm.s32 @p1 $0x1  }
0x15: {  	[smem:$0x3FB1] =	sst s0;
	s0 =	simm.s32 @!p2 $0x0  }
0x16: {  	s3 =	sld [smem:$0x3FDB];
	s0 =	simm.s32 @p2 $0x1  }
0x17: {  	s4 =	simm.s32 $0x1BF5;
	[smem:$0x3FB3] =	sst s0  }
0x18: {  	s0 =	sld [smem:$0x3F96];
	_ =	swait.ge [sflag:s4], $0x0  }
0x19: {  	s7 =	sld [smem:$0x3F97]  }
0x1a: {  	s8 =	sadd.s32 $0xFFFFE003, lr  }
0x1b: {  	s9 =	sadd.s32 $0xFFFFFEF7, lr;
	s5 =	simm.s32 $0xFFFFFFFF;
	p2 =	slt.u32 s8, $0xFFFFF086  }
0x1c: {  	p1 =	slt.u32 s9, $0xF7A;
	s5 =	simm.s32 @!p2 $0x0  }
0x1d: {  	s5 =	simm.s32 @p1 $0x1;
	p0 =	seq.s32 s7, s2  }
0x1e: {  	s7 =	smul.u32 @!p0 $0xF7A, s2;
	p2 =	seq.s32 @!p0 s5, $0x0  }
0x1f: {  	s9 =	smul.u32 $0xF7A, s1;
	s8 =	simm.s32 @!p0 $0x1BF5;
	p2 =	por !p2, p0  }
0x20: {  	[sflag:s8] =	ssyncset.s32 @!p0 $0xFFFFF086;
	s6 =	sadd.s32 @!p0 s3, s7;
	s7 =	simm.s32 @!p0 $0x108  }
0x21: {  	s3 =	sadd.s32 s3, s9;
	s6 =	sadd.s32 @!p0 $0x88, s6;
	s7 =	simm.s32 @p2 $0x1082  }
0x22: {  	[simem:s7], [sflag:s8] =	dma.local @!p0 [hbm:s6], $0xF7A  }
0x23: {  	s9 =	sor.u32 $0xD0000000, s2;
	s6 =	simm.s32 $0x108;
	_ =	swait.ge @!p0 [sflag:s8], $0x0  }
0x24: {  	s3 =	sadd.s32 $0x88, s3;
	s6 =	simm.s32 @!p1 $0x1082;
	[sflag:s4] =	ssyncset.s32 $0xFFFFF086  }
0x25: {  	[simem:s6], [sflag:s4] =	dma.local [hbm:s3], $0xF7A  }
0x26: {  	[smem:$0x3F97] =	sst s1;
	(tag) =	ssettag s2;
	_ =	strace s9  }
0x27: {  	s1 =	sld [smem:$0x3FA7]  }
0x28: {  	s2 =	sld [smem:$0x3FA8]  }
0x29: {  	s4 =	sld [smem:$0x3FAA]  }
0x2a: {  	p0 =	seq.s32 s5, $0x0;
	s5 =	sld [smem:$0x3FAB]  }
0x2b: {  	s6 =	sld [smem:$0x3FAC]  }
0x2c: {  	s7 =	sld [smem:$0x3FAD]  }
0x2d: {  	s3 =	simm.s32 $0x108;
	s8 =	sld [smem:$0x3FAE]  }
0x2e: {  	s3 =	simm.s32 @!p0 $0x1082;
	s9 =	sld [smem:$0x3FAF]  }
0x2f: {  	lr =	sadd.s32 s0, s3;
	s0 =	sld [smem:$0x3FA6]  }
0x30: {  	s3 =	sld [smem:$0x3FA9]  }
0x31: {  	[smem:$0x3FB2] =	sst s10  }
0x32: {  	s10 =	sld [smem:$0x3FB0];
	_ =	sdelay $0x3  }
0x33: {  	p0 =	seq.s32 s10, $0x1;
	s10 =	sld [smem:$0x3FB2];
	_ =	sdelay $0x3  }
0x34: {  	[smem:$0x3FB2] =	sst s10  }
0x35: {  	s10 =	sld [smem:$0x3FB1];
	_ =	sdelay $0x3  }
0x36: {  	p1 =	seq.s32 s10, $0x1;
	s10 =	sld [smem:$0x3FB2];
	_ =	sdelay $0x3  }
0x37: {  	[smem:$0x3FB2] =	sst s10  }
0x38: {  	s10 =	sld [smem:$0x3FB3]  }
0x39: {  	_ = 	snop;
	(pc) =	sbr.ind lr, $3  }
0x3a: {  	_ = 	snop  }
0x3b: {  	_ = 	snop  }
0x3c: {  	p2 =	seq.s32 s10, $0x1;
	s10 =	sld [smem:$0x3FB2]  }
0x3d: {  	_ =	shalt  }
0x3e: {  	_ =	shalt  }
0x3f: {  	_ =	shalt  }
0x40: {  	_ =	shalt  }
0x41: {  	_ =	shalt  }
0x42: {  	_ =	shalt  }
0x43: {  	_ =	shalt  }
0x44: {  	_ =	shalt  }
0x45: {  	_ =	shalt  }
0x46: {  	_ =	shalt  }
0x47: {  	_ =	shalt  }
0x48: {  	_ =	shalt  }
0x49: {  	_ =	shalt  }
0x4a: {  	_ =	shalt  }
0x4b: {  	_ =	shalt  }
0x4c: {  	_ =	shalt  }
0x4d: {  	_ =	shalt  }
0x4e: {  	_ =	shalt  }
0x4f: {  	_ =	shalt  }
0x50: {  	_ =	shalt  }
0x51: {  	_ =	shalt  }
0x52: {  	_ =	shalt  }
0x53: {  	_ =	shalt  }
0x54: {  	_ =	shalt  }
0x55: {  	_ =	shalt  }
0x56: {  	_ =	shalt  }
0x57: {  	_ =	shalt  }
0x58: {  	_ =	shalt  }
0x59: {  	_ =	shalt  }
0x5a: {  	_ =	shalt  }
0x5b: {  	_ =	shalt  }
0x5c: {  	_ =	shalt  }
0x5d: {  	_ =	shalt  }
0x5e: {  	_ =	shalt  }
0x5f: {  	_ =	shalt  }
0x60: {  	_ =	shalt  }
0x61: {  	_ =	shalt  }
0x62: {  	_ =	shalt  }
0x63: {  	_ =	shalt  }
0x64: {  	_ =	shalt  }
0x65: {  	_ =	shalt  }
0x66: {  	_ =	shalt  }
0x67: {  	_ =	shalt  }
0x68: {  	_ =	shalt  }
0x69: {  	_ =	shalt  }
0x6a: {  	_ =	shalt  }
0x6b: {  	_ =	shalt  }
0x6c: {  	_ =	shalt  }
0x6d: {  	_ =	shalt  }
0x6e: {  	_ =	shalt  }
0x6f: {  	_ =	shalt  }
0x70: {  	_ =	shalt  }
0x71: {  	_ =	shalt  }
0x72: {  	_ =	shalt  }
0x73: {  	_ =	shalt  }
0x74: {  	_ =	shalt  }
0x75: {  	_ =	shalt  }
0x76: {  	_ =	shalt  }
0x77: {  	_ =	shalt  }
0x78: {  	_ =	shalt  }
0x79: {  	_ =	shalt  }
0x7a: {  	_ =	shalt  }
0x7b: {  	_ =	shalt  }
0x7c: {  	_ =	shalt  }
0x7d: {  	_ =	shalt  }
0x7e: {  	_ =	shalt  }
0x7f: {  	_ =	shalt  }
0x80: {  	_ =	shalt  }
0x81: {  	_ =	shalt  }
0x82: {  	_ =	shalt  }
0x83: {  	_ =	shalt  }
0x84: {  	_ =	shalt  }
0x85: {  	_ =	shalt  }
0x86: {  	_ =	shalt  }
0x87: {  	_ =	shalt  }
.Lfunc_end0:
.L_simem_size_0:
called_computation_lowered:
.L_overlay_start_0:
0x88: {  	s2 =	sld [smem:$0x3FD9]  }
0x89: {  	s3 =	sld [smem:$0x3FFE];
	_ =	sdelay $0x1  }
0x8a: {  	s1 =	srdreg.scid  }
0x8b: {  	s0 =	sand.u32 $0x1, s1  }
0x8c: {  	s17 =	sshll.u32 s0, $0xA;
	s2 =	sadd.s32 s3, s2  }
0x8d: {  	s2 =	sadd.s32 s2, s17  }
0x8e: {  	[smem:$0x3FBE] =	sst s2  }
0x8f: {  	_ = 	snop  }
0x90: {  	s2 =	sld [smem:$0x3FD0];
	(tm) =	ssettm $0x1  }
0x91: {  	s18 =	sld [smem:$0x3FFB];
	_ =	sdelay $0x3  }
0x92: {  	_ =	strace s18  }
0x93: {  	s3 =	sld [smem:$0x3FFC];
	_ =	sdelay $0x3  }
0x94: {  	_ =	strace s3  }
0x95: {  	s3 =	sld [smem:$0x3FFD];
	_ =	sdelay $0x3  }
0x96: {  	_ =	strace s3  }
0x97: {  	_ =	strace $0x8FFFFFFF  }
0x98: {  	s19 =	sld [smem:$0x3FDB];
	_ =	sdelay $0x1  }
0x99: {  	s4 =	simm.s32 $_scs_section_size  }
0x9a: {  	s5 =	simm.s32 $_size__tile_overlayer_lowered;
	s6 =	simm.s32 $_tile_overlayer_lowered  }
0x9b: {  	s22 =	simm.s32 $0x1BFF;
	s21 =	sshll.u32 s6, $0x1;
	s3 =	sadd.s32 s4, s19  }
0x9c: {  	s7 =	simm.s32 $0x0;
	s20 =	sshll.u32 s5, $0x1;
	s5 =	sadd.s32 s21, s3  }
0x9d: {  	[timem:s7], [sflag:s22] =	dma.local [hbm:s5], s20  }
0x9e: {  	_ =	swait.ge [sflag:s22], s20  }
0x9f: {  	s4 =	ssub.s32 $0x0, s20;
	[sflag:s22] =	ssyncset.done $0x0  }
0xa0: {  	[sflag:s22] =	ssyncadd.s32 s4;
	_ =	sdelay $0x1  }
0xa1: {  	s23 =	simm.s32 $0x1B8B  }
0xa2: {  	_ =	swait.ge [sflag:s23], $0x1  }
0xa3: {  	[sflag:s23] =	ssyncset.done $0x0  }
0xa4: {  	s25 =	simm.s32 $0x1B8E;
	s24 =	sld [smem:$0x3FFE];
	[sflag:s23] =	ssyncadd.s32 $0xFFFFFFFF  }
0xa5: {  	s26 =	simm.s32 $execute0_lowered;
	[smem:$0x3FD2] =	sst s25  }
0xa6: {  	s5 =	sshll.u32 s26, $0x1;
	_ =	strace $0x80000046;
	[dreg:$0x1] =	wrdreg $0xFFFFFFFF  }
0xa7: {  	s28 =	simm.s32 $_size_execute0_lowered;
	s3 =	sadd.s32 s3, s5;
	[dreg:$0x0] =	wrdreg $0x0  }
0xa8: {  	s5 =	sshll.u32 s28, $0x1;
	[dreg:$0x2] =	wrdreg s3  }
0xa9: {  	[dreg:$0x3] =	wrdreg s5  }
0xaa: {  	[dreg:$0x4] =	wrdreg $0xC0  }
0xab: {  	_ =	task [dreg:s7], $0x5FFFF  }
0xac: {  	[dreg:$0x1] =	wrdreg $0xFFFFFFFF  }
0xad: {  	[dreg:$0x0] =	wrdreg $0x60  }
0xae: {  	[dreg:$0x2] =	wrdreg s2  }
0xaf: {  	[dreg:$0x3] =	wrdreg s24  }
0xb0: {  	[dreg:$0x4] =	wrdreg $0x9  }
0xb1: {  	_ =	task.clear_ibuf [dreg:s7], $0x5FFFF;
	_ =	strace $0x90000046  }
0xb2: {  	s29 =	simm.s32 $0x9;
	_ =	strace $0x80000048  }
0xb3: {  	_ =	swait.ge [sflag:s29], $0x1  }
0xb4: {  	[sflag:s29] =	ssyncadd.s32 $0xFFFFFFFF  }
0xb5: {  	_ =	strace $0x90000048  }
0xb6: {  	_ =	sfence  }
0xb7: {  	s30 =	sld [smem:$0x0];
	_ =	sdelay $0x2  }
0xb8: {  	s31 =	sshll.u32 s1, $0xD;
	s1 =	sshrl.u32 s1, $0x2  }
0xb9: {  	s3 =	sand.u32 $0x4000, s31;
	s1 =	sadd.s32 s1, s30  }
0xba: {  	s0 =	sor.u32 s3, s0;
	s1 =	sshll.u32 s1, $0x11  }
0xbb: {  	s0 =	sor.u32 s1, s0  }
0xbc: {  	s0 =	sadd.s32 $0x8F2B, s0  }
0xbd: {  	[sflag:s0] =	ssyncadd.remote.s32 $0x1  }
0xbe: {  	_ =	sfence.sel $0xFFFF  }
0xbf: {  	[dreg:$0x0] =	wrdreg $0xFFFFFFFF;
	(pc) =	sbr.abs _section_cstart, $3  }
0xc0: {  	[dreg:$0x1] =	wrdreg $0xFFFFFFFF  }
0xc1: {  	_ =	task.clear_ibuf [dreg:s7], $0x2FFFF;
	_ =	strace $0x9FFFFFFF  }
0xc2: {  	(tm) =	ssettm $0x7FFFFFFF  }
0xc3: {  	_ =	shalt  }
tec
execute0_lowered:
.L_overlay_start_1:
0x0: {  	(tag) =	ssettag $0x1  }
0x1: {  	s1 =	srdreg.scid;
	s0 =	stileid.u32  }
0x2: {  	s30 =	sand.u32 $0x1, s1;
	s26 =	sshll.u32 s0, $0x1  }
0x3: {  	s3 =	rddreg [dreg:$0x0];
	s13 =	sor.u32 s30, s26  }
0x4: {  	s12 =	rddreg [dreg:$0x1];
	s2 =	simm.s32 $0x0;
	s4 =	smul.u32 $0xBC, s13  }
0x5: {  	[smem:$0x7FF] =	sst s2  }
0x6: {  	_ =	strace $0x80000047;
	s3 =	sadd.s32 s3, s4;
	s4 =	simm.s32 $0x3  }
0x7: {  	[tilespmem:s2], [sflag:$0x3] =	stream.linear.gather [hbm4b:s3+s2], $0x5E0, $0x38;
	[tilespmem:$0x18600] =	vst v63  }
0x8: {  	_ =	swait.ge [sflag:s4], $0x5E0  }
0x9: {  	s6 =	simm.s32 $0x80;
	[sflag:s4] =	ssyncset.done $0x0  }
0xa: {  	s7 =	simm.s32 $0x600;
	s5 =	sadd.s32 $0x600, s12;
	[sflag:s4] =	ssyncadd.s32 $0xFFFFFA20  }
0xb: {  	[tilespmem:s7], [sflag:$0x1] =	stream.indirect.gather [hbm4b:s5+s6], $0x80, s2, s6, $0xb8;
	[tilespmem:$0x18600] =	vst v63  }
0xc: {  	s8 =	simm.s32 $0x4600  }
0xd: {  	[tilespmem:s8], [sflag:$0x1] =	stream.indirect.gather [hbm4b:s5+s6], $0x80, s6, s6, $0xb8;
	[tilespmem:$0x18600] =	vst v63  }
0xe: {  	s9 =	simm.s32 $0x100;
	s10 =	simm.s32 $0x8600;
	s11 =	simm.s32 $0x1  }
0xf: {  	[tilespmem:s10], [sflag:$0x1] =	stream.indirect.gather [hbm4b:s5+s6], $0x80, s9, s6, $0xb8;
	[tilespmem:$0x18600] =	vst v63  }
0x10: {  	_ =	swait.ge [sflag:s11], $0x4000  }
0x11: {  	[sflag:s11] =	ssyncset.done $0x0  }
0x12: {  	[sflag:s11] =	ssyncadd.s32 $0xFFFFC000  }
0x13: {  	_ =	swait.ge [sflag:s11], $0x4000  }
0x14: {  	s13 =	smul.u32 $0x2F000, s13;
	[sflag:s11] =	ssyncset.done $0x0  }
0x15: {  	[sflag:s11] =	ssyncadd.s32 $0xFFFFC000  }
0x16: {  	s13 =	sshrl.u32 s13, $0x3;
	_ =	swait.ge [sflag:s11], $0x4000  }
0x17: {  	s31 =	sadd.s32 s13, s12;
	[sflag:s11] =	ssyncset.done $0x0  }
0x18: {  	s12 =	sadd.s32 $0x1600, s31;
	[sflag:s11] =	ssyncadd.s32 $0xFFFFC000  }
0x19: {  	[hbm4b:s12+s2] =	stream.linear.scatter [tilespmem:s7], [sflag:$0x2], $0xC000, $0x38;
	[tilespmem:$0x18600] =	vst v63  }
0x1a: {  	s14 =	simm.s32 $0xC600;
	s13 =	simm.s32 $0x180  }
0x1b: {  	[tilespmem:s14], [sflag:$0x1] =	stream.indirect.gather [hbm4b:s5+s6], $0x80, s13, s6, $0xb8;
	[tilespmem:$0x18600] =	vst v63  }
0x1c: {  	s15 =	simm.s32 $0x200;
	s16 =	simm.s32 $0x10600  }
0x1d: {  	[tilespmem:s16], [sflag:$0x1] =	stream.indirect.gather [hbm4b:s5+s6], $0x80, s15, s6, $0xb8;
	[tilespmem:$0x18600] =	vst v63  }
0x1e: {  	s17 =	simm.s32 $0x280;
	s18 =	simm.s32 $0x14600  }
0x1f: {  	[tilespmem:s18], [sflag:$0x1] =	stream.indirect.gather [hbm4b:s5+s6], $0x80, s17, s6, $0xb8;
	[tilespmem:$0x18600] =	vst v63  }
0x20: {  	_ =	swait.ge [sflag:s11], $0x4000  }
0x21: {  	[sflag:s11] =	ssyncset.done $0x0  }
0x22: {  	[sflag:s11] =	ssyncadd.s32 $0xFFFFC000  }
0x23: {  	_ =	swait.ge [sflag:s11], $0x4000  }
0x24: {  	[sflag:s11] =	ssyncset.done $0x0  }
0x25: {  	[sflag:s11] =	ssyncadd.s32 $0xFFFFC000  }
0x26: {  	_ =	swait.ge [sflag:s11], $0x4000  }
0x27: {  	[sflag:s11] =	ssyncset.done $0x0  }
0x28: {  	s19 =	sadd.s32 $0x2E00, s31;
	[sflag:s11] =	ssyncadd.s32 $0xFFFFC000  }
0x29: {  	[hbm4b:s19+s2] =	stream.linear.scatter [tilespmem:s14], [sflag:$0x2], $0xC000, $0x38;
	[tilespmem:$0x18600] =	vst v63  }
0x2a: {  	s20 =	simm.s32 $0x300  }
0x2b: {  	[tilespmem:s7], [sflag:$0x1] =	stream.indirect.gather [hbm4b:s5+s6], $0x80, s20, s6, $0xb8;
	[tilespmem:$0x18600] =	vst v63  }
0x2c: {  	s21 =	simm.s32 $0x380  }
0x2d: {  	[tilespmem:s8], [sflag:$0x1] =	stream.indirect.gather [hbm4b:s5+s6], $0x80, s21, s6, $0xb8;
	[tilespmem:$0x18600] =	vst v63  }
0x2e: {  	s23 =	simm.s32 $0x400;
	s22 =	simm.s32 $0x2  }
0x2f: {  	[tilespmem:s10], [sflag:$0x1] =	stream.indirect.gather [hbm4b:s5+s6], $0x80, s23, s6, $0xb8;
	[tilespmem:$0x18600] =	vst v63  }
0x30: {  	_ =	swait.ge [sflag:s22], $0xC000  }
0x31: {  	[sflag:s22] =	ssyncset.done $0x0  }
0x32: {  	[sflag:s22] =	ssyncadd.s32 $0xFFFF4000  }
0x33: {  	_ =	swait.ge [sflag:s11], $0x4000  }
0x34: {  	[sflag:s11] =	ssyncset.done $0x0  }
0x35: {  	[sflag:s11] =	ssyncadd.s32 $0xFFFFC000  }
0x36: {  	_ =	swait.ge [sflag:s11], $0x4000  }
0x37: {  	[sflag:s11] =	ssyncset.done $0x0  }
0x38: {  	[sflag:s11] =	ssyncadd.s32 $0xFFFFC000  }
0x39: {  	_ =	swait.ge [sflag:s11], $0x4000  }
0x3a: {  	[sflag:s11] =	ssyncset.done $0x0  }
0x3b: {  	s24 =	sadd.s32 $0x4600, s31;
	[sflag:s11] =	ssyncadd.s32 $0xFFFFC000  }
0x3c: {  	[hbm4b:s24+s2] =	stream.linear.scatter [tilespmem:s7], [sflag:$0x2], $0xC000, $0x38;
	[tilespmem:$0x18600] =	vst v63  }
0x3d: {  	s25 =	simm.s32 $0x480  }
0x3e: {  	[tilespmem:s14], [sflag:$0x1] =	stream.indirect.gather [hbm4b:s5+s6], $0x80, s25, s6, $0xb8;
	[tilespmem:$0x18600] =	vst v63  }
0x3f: {  	s26 =	simm.s32 $0x500  }
0x40: {  	[tilespmem:s16], [sflag:$0x1] =	stream.indirect.gather [hbm4b:s5+s6], $0x80, s26, s6, $0xb8;
	[tilespmem:$0x18600] =	vst v63  }
0x41: {  	s28 =	simm.s32 $0x5C;
	s29 =	simm.s32 $0x580  }
0x42: {  	[tilespmem:s18], [sflag:$0x1] =	stream.indirect.gather [hbm4b:s5+s28], $0x80, s29, s28, $0xb8;
	[tilespmem:$0x18600] =	vst v63  }
0x43: {  	_ =	swait.ge [sflag:s22], $0xC000  }
0x44: {  	[sflag:s22] =	ssyncset.done $0x0  }
0x45: {  	[sflag:s22] =	ssyncadd.s32 $0xFFFF4000  }
0x46: {  	_ =	swait.ge [sflag:s11], $0x4000  }
0x47: {  	[sflag:s11] =	ssyncset.done $0x0  }
0x48: {  	[sflag:s11] =	ssyncadd.s32 $0xFFFFC000  }
0x49: {  	_ =	swait.ge [sflag:s11], $0x4000  }
0x4a: {  	s1 =	ssub.s32 $0x2, s30;
	[sflag:s11] =	ssyncset.done $0x0  }
0x4b: {  	s30 =	sadd.s32 $0x5E00, s31;
	s31 =	sshrl.u32 s1, $0x1;
	[sflag:s11] =	ssyncadd.s32 $0xFFFFC000  }
0x4c: {  	s1 =	ssub.s32 s1, s31;
	_ =	swait.ge [sflag:s11], $0x2E00  }
0x4d: {  	s1 =	smax.u32 s1, $0x1;
	[sflag:s11] =	ssyncset.done $0x0  }
0x4e: {  	p0 =	sne.s32 s1, $0x1;
	[sflag:s11] =	ssyncadd.s32 $0xFFFFD200  }
0x4f: {  	[hbm4b:s30+s2] =	stream.linear.scatter [tilespmem:s14], [sflag:$0x2], $0xAE00, $0x38;
	[tilespmem:$0x18600] =	vst v63  }
.Ltmp0:
0x50: {  	_ =	swait.ge [sflag:s22], $0xC000;
	(pc) =	sbr.rel @!p0 .LBB2_2-.Ltmp0, $4  }
0x51: {  	[sflag:s22] =	ssyncset.done $0x0  }
0x52: {  	[sflag:s22] =	ssyncadd.s32 $0xFFFF4000  }
0x53: {  	_ =	swait.ge [sflag:s22], $0xAE00  }
0x54: {  	s31 =	sadd.s32 $0xFFFFFFFF, s1;
	[sflag:s22] =	ssyncset.done $0x0  }
.LBB2_1:
0x55: {  	p0 =	sne.s32 s31, $0x1;
	s31 =	sadd.s32 $0xFFFFFFFF, s31;
	[sflag:s22] =	ssyncadd.s32 $0xFFFF5200  }
0x56: {  	[tilespmem:s2], [sflag:$0x3] =	stream.linear.gather [hbm4b:s3+s2], $0x5E0, $0x38;
	[tilespmem:$0x18600] =	vst v63  }
0x57: {  	_ =	swait.ge [sflag:s4], $0x5E0  }
0x58: {  	[sflag:s4] =	ssyncset.done $0x0  }
0x59: {  	[sflag:s4] =	ssyncadd.s32 $0xFFFFFA20  }
0x5a: {  	[tilespmem:s7], [sflag:$0x1] =	stream.indirect.gather [hbm4b:s5+s6], $0x80, s2, s6, $0xb8;
	[tilespmem:$0x18600] =	vst v63  }
0x5b: {  	_ = 	snop  }
0x5c: {  	[tilespmem:s8], [sflag:$0x1] =	stream.indirect.gather [hbm4b:s5+s6], $0x80, s6, s6, $0xb8;
	[tilespmem:$0x18600] =	vst v63  }
0x5d: {  	_ = 	snop  }
0x5e: {  	[tilespmem:s10], [sflag:$0x1] =	stream.indirect.gather [hbm4b:s5+s6], $0x80, s9, s6, $0xb8;
	[tilespmem:$0x18600] =	vst v63  }
0x5f: {  	_ =	swait.ge [sflag:s11], $0x4000  }
0x60: {  	[sflag:s11] =	ssyncset.done $0x0  }
0x61: {  	[sflag:s11] =	ssyncadd.s32 $0xFFFFC000  }
0x62: {  	_ =	swait.ge [sflag:s11], $0x4000  }
0x63: {  	[sflag:s11] =	ssyncset.done $0x0  }
0x64: {  	[sflag:s11] =	ssyncadd.s32 $0xFFFFC000  }
0x65: {  	_ =	swait.ge [sflag:s11], $0x4000  }
0x66: {  	[sflag:s11] =	ssyncset.done $0x0  }
0x67: {  	[sflag:s11] =	ssyncadd.s32 $0xFFFFC000  }
0x68: {  	[hbm4b:s12+s2] =	stream.linear.scatter [tilespmem:s7], [sflag:$0x2], $0xC000, $0x38;
	[tilespmem:$0x18600] =	vst v63  }
0x69: {  	_ = 	snop  }
0x6a: {  	[tilespmem:s14], [sflag:$0x1] =	stream.indirect.gather [hbm4b:s5+s6], $0x80, s13, s6, $0xb8;
	[tilespmem:$0x18600] =	vst v63  }
0x6b: {  	_ = 	snop  }
0x6c: {  	[tilespmem:s16], [sflag:$0x1] =	stream.indirect.gather [hbm4b:s5+s6], $0x80, s15, s6, $0xb8;
	[tilespmem:$0x18600] =	vst v63  }
0x6d: {  	_ = 	snop  }
0x6e: {  	[tilespmem:s18], [sflag:$0x1] =	stream.indirect.gather [hbm4b:s5+s6], $0x80, s17, s6, $0xb8;
	[tilespmem:$0x18600] =	vst v63  }
0x6f: {  	_ =	swait.ge [sflag:s11], $0x4000  }
0x70: {  	[sflag:s11] =	ssyncset.done $0x0  }
0x71: {  	[sflag:s11] =	ssyncadd.s32 $0xFFFFC000  }
0x72: {  	_ =	swait.ge [sflag:s11], $0x4000  }
0x73: {  	[sflag:s11] =	ssyncset.done $0x0  }
0x74: {  	[sflag:s11] =	ssyncadd.s32 $0xFFFFC000  }
0x75: {  	_ =	swait.ge [sflag:s11], $0x4000  }
0x76: {  	[sflag:s11] =	ssyncset.done $0x0  }
0x77: {  	[sflag:s11] =	ssyncadd.s32 $0xFFFFC000  }
0x78: {  	[hbm4b:s19+s2] =	stream.linear.scatter [tilespmem:s14], [sflag:$0x2], $0xC000, $0x38;
	[tilespmem:$0x18600] =	vst v63  }
0x79: {  	_ = 	snop  }
0x7a: {  	[tilespmem:s7], [sflag:$0x1] =	stream.indirect.gather [hbm4b:s5+s6], $0x80, s20, s6, $0xb8;
	[tilespmem:$0x18600] =	vst v63  }
0x7b: {  	_ = 	snop  }
0x7c: {  	[tilespmem:s8], [sflag:$0x1] =	stream.indirect.gather [hbm4b:s5+s6], $0x80, s21, s6, $0xb8;
	[tilespmem:$0x18600] =	vst v63  }
0x7d: {  	_ = 	snop  }
0x7e: {  	[tilespmem:s10], [sflag:$0x1] =	stream.indirect.gather [hbm4b:s5+s6], $0x80, s23, s6, $0xb8;
	[tilespmem:$0x18600] =	vst v63  }
0x7f: {  	_ =	swait.ge [sflag:s22], $0xC000  }
0x80: {  	[sflag:s22] =	ssyncset.done $0x0  }
0x81: {  	[sflag:s22] =	ssyncadd.s32 $0xFFFF4000  }
0x82: {  	_ =	swait.ge [sflag:s11], $0x4000  }
0x83: {  	[sflag:s11] =	ssyncset.done $0x0  }
0x84: {  	[sflag:s11] =	ssyncadd.s32 $0xFFFFC000  }
0x85: {  	_ =	swait.ge [sflag:s11], $0x4000  }
0x86: {  	[sflag:s11] =	ssyncset.done $0x0  }
0x87: {  	[sflag:s11] =	ssyncadd.s32 $0xFFFFC000  }
0x88: {  	_ =	swait.ge [sflag:s11], $0x4000  }
0x89: {  	[sflag:s11] =	ssyncset.done $0x0  }
0x8a: {  	[sflag:s11] =	ssyncadd.s32 $0xFFFFC000  }
0x8b: {  	[hbm4b:s24+s2] =	stream.linear.scatter [tilespmem:s7], [sflag:$0x2], $0xC000, $0x38;
	[tilespmem:$0x18600] =	vst v63  }
0x8c: {  	_ = 	snop  }
0x8d: {  	[tilespmem:s14], [sflag:$0x1] =	stream.indirect.gather [hbm4b:s5+s6], $0x80, s25, s6, $0xb8;
	[tilespmem:$0x18600] =	vst v63  }
0x8e: {  	_ = 	snop  }
0x8f: {  	[tilespmem:s16], [sflag:$0x1] =	stream.indirect.gather [hbm4b:s5+s6], $0x80, s26, s6, $0xb8;
	[tilespmem:$0x18600] =	vst v63  }
0x90: {  	_ = 	snop  }
0x91: {  	[tilespmem:s18], [sflag:$0x1] =	stream.indirect.gather [hbm4b:s5+s28], $0x80, s29, s28, $0xb8;
	[tilespmem:$0x18600] =	vst v63  }
0x92: {  	_ =	swait.ge [sflag:s22], $0xC000  }
0x93: {  	[sflag:s22] =	ssyncset.done $0x0  }
0x94: {  	[sflag:s22] =	ssyncadd.s32 $0xFFFF4000  }
0x95: {  	_ =	swait.ge [sflag:s11], $0x4000  }
0x96: {  	[sflag:s11] =	ssyncset.done $0x0  }
0x97: {  	[sflag:s11] =	ssyncadd.s32 $0xFFFFC000  }
0x98: {  	_ =	swait.ge [sflag:s11], $0x4000  }
0x99: {  	[sflag:s11] =	ssyncset.done $0x0  }
0x9a: {  	[sflag:s11] =	ssyncadd.s32 $0xFFFFC000  }
0x9b: {  	_ =	swait.ge [sflag:s11], $0x2E00  }
0x9c: {  	[sflag:s11] =	ssyncset.done $0x0  }
0x9d: {  	[sflag:s11] =	ssyncadd.s32 $0xFFFFD200  }
0x9e: {  	[hbm4b:s30+s2] =	stream.linear.scatter [tilespmem:s14], [sflag:$0x2], $0xAE00, $0x38;
	[tilespmem:$0x18600] =	vst v63  }
.Ltmp1:
0x9f: {  	_ =	swait.ge [sflag:s22], $0xC000;
	(pc) =	sbr.rel @p0 .LBB2_1-.Ltmp1, $4  }
0xa0: {  	[sflag:s22] =	ssyncset.done $0x0  }
0xa1: {  	[sflag:s22] =	ssyncadd.s32 $0xFFFF4000  }
0xa2: {  	_ =	swait.ge [sflag:s22], $0xAE00  }
0xa3: {  	[sflag:s22] =	ssyncset.done $0x0  }
.LBB2_2:
0xa4: {  	[sflag:s22] =	ssyncadd.s32 $0xFFFF5200  }
0xa5: {  	_ =	sfence.sel $0x180000  }
0xa6: {  	[bflag:$0x0] =	sbarrier.arrive $0xFFFF  }
0xa7: {  	_ =	strace $0x90000047  }
0xa8: {  	[bflag:$0x2] =	sbarrier.arrive $0xFFFF  }
0xa9: {  	p0 =	sne.s32 s0, $0x0;
	s0 =	rddreg [dreg:$0x2]  }
0xaa: {  	s0 =	sadd.s32 @!p0 $0x100000, s0  }
0xab: {  	[sflag:s0] =	ssyncadd.tile.s32 @!p0 $0x1;
	_ =	shalt  }
.Lfunc_end2:
_tile_overlayer_lowered:
.L_overlay_start_2:
0xac: {  	(tag) =	ssettag $0x2  }
0xad: {  	s0 =	rddreg [dreg:$0x0];
	s2 =	stileid.u32  }
0xae: {  	s1 =	rddreg [dreg:$0x1];
	p0 =	sne.s32 s2, $0x0  }
0xaf: {  	s3 =	rddreg [dreg:$0x2];
	[bflag:$0x3] =	sbarrier.arrive $0xFFFF;
	s2 =	simm.s32 @!p0 $0x1C03  }
0xb0: {  	[timem:s3], [sflag:s2] =	dma.local @!p0 [hbm:s0], s1  }
0xb1: {  	s0 =	simm.s32 @!p0 $0x3  }
0xb2: {  	_ =	swait.ge @!p0 [sflag:s0], s1  }
0xb3: {  	s1 =	ssub.s32 @!p0 $0x0, s1;
	[sflag:s0] =	ssyncset.done @!p0 $0x0  }
0xb4: {  	[sflag:s0] =	ssyncadd.s32 @!p0 s1  }
0xb5: {  	[bflag:$0x3] =	sbarrier.arrive $0xFFFF  }
0xb6: {  	_ =	shalt  }

</sc_bundles>
